<compile_context>
chip_gen: v7x
topology: tpu7x:2x2x1
jax: 0.10.2.dev20260603
libtpu: 0.0.44.dev20260713+nightly
codegen_flags: <defaults>
</compile_context>

<pallas_src>
import functools

import jax
import jax.numpy as jnp
from jax import lax
from jax.experimental import pallas as pl
from jax.experimental.pallas import tpu as pltpu
from jax.experimental.pallas import tpu_sc as plsc

N = 10000
E = 320000
D = 128
NPAD = 10240

NC = 2
NS = 16
NW = NC * NS

EPT = E // NW
CHUNK = 128
CHUNKS = 80
EPAD = CHUNKS * CHUNK - EPT
G = 8
NBLK = CHUNKS // G
ROWS_PT = NPAD // NS
ZR = 32


def _make_seg_sum(compute_deg: bool):
    mesh = plsc.VectorSubcoreMesh(core_axis_name="c", subcore_axis_name="s")

    out_type = [jax.ShapeDtypeStruct((NC, NPAD, D), jnp.float32)]
    scratch = [
        pltpu.MemorySpace.VMEM_SHARED((NPAD, D), jnp.float32),
        pltpu.MemorySpace.VMEM((2, G, CHUNK), jnp.int32),
        pltpu.MemorySpace.VMEM((2, G, CHUNK), jnp.int32),
        pltpu.MemorySpace.VMEM((2, CHUNK, D), jnp.float32),
        pltpu.SemaphoreType.DMA,
        pltpu.SemaphoreType.DMA,
        pltpu.SemaphoreType.DMA,
    ]
    if compute_deg:
        out_type.append(jax.ShapeDtypeStruct((NW, NPAD), jnp.float32))
        scratch.append(pltpu.MemorySpace.VMEM((NPAD,), jnp.float32))

    def body(*refs):
        if compute_deg:
            (h_hbm, src_hbm, dst_hbm, acc_out, deg_out,
             acc_sh, src_v, dst_v, rows_v, gsem, ssem, isem, deg_v) = refs
        else:
            (h_hbm, src_hbm, dst_hbm, acc_out,
             acc_sh, src_v, dst_v, rows_v, gsem, ssem, isem) = refs

        c = lax.axis_index("c")
        s = lax.axis_index("s")
        wid = c * NS + s

        pltpu.sync_copy(src_hbm.at[wid, 0], src_v.at[0])
        pltpu.sync_copy(dst_hbm.at[wid, 0], dst_v.at[0])

        zeros16 = jnp.zeros((16,), jnp.float32)

        def zb(i, _):
            rows_v[0, i // (D // 16), pl.ds((i % (D // 16)) * 16, 16)] = zeros16
            return 0
        lax.fori_loop(0, ZR * (D // 16), zb, 0)

        base = s * ROWS_PT

        def zs(k, _):
            pltpu.sync_copy(rows_v.at[0, pl.ds(0, ZR)],
                            acc_sh.at[pl.ds(base + k * ZR, ZR)])
            return 0
        lax.fori_loop(0, ROWS_PT // ZR, zs, 0)

        if compute_deg:
            def zd(i, _):
                deg_v[pl.ds(i * 16, 16)] = zeros16
                return 0
            lax.fori_loop(0, NPAD // 16, zd, 0)

        plsc.subcore_barrier()

        ones16 = jnp.ones((16,), jnp.float32)

        def start_gather(blk2, k, buf):
            pltpu.async_copy(h_hbm.at[src_v.at[blk2, k]], rows_v.at[buf], gsem)

        def wait_gather(buf):
            pltpu.make_async_copy(h_hbm.at[src_v.at[0, 0]],
                                  rows_v.at[buf], gsem).wait()

        def drain_scatter(buf):
            pltpu.make_async_copy(rows_v.at[buf],
                                  acc_sh.at[dst_v.at[0, 0]], ssem).wait()

        start_gather(0, 0, 0)

        def step(j, _):
            blk = j // G
            k = j % G
            bb = lax.rem(blk, 2)
            buf = lax.rem(j, 2)


            @pl.when((k == 0) & (blk + 1 < NBLK))
            def _():
                nb = lax.rem(blk + 1, 2)
                pltpu.async_copy(src_hbm.at[wid, blk + 1], src_v.at[nb], isem)
                pltpu.async_copy(dst_hbm.at[wid, blk + 1], dst_v.at[nb], isem)

            wait_gather(buf)

            if compute_deg:
                def db(i, _):
                    idx = dst_v[bb, k, pl.ds(i * 16, 16)]
                    plsc.addupdate_scatter(deg_v, [idx], ones16)
                    return 0
                lax.fori_loop(0, CHUNK // 16, db, 0)

            @pl.when(j + 1 < CHUNKS)
            def _():
                nblk = (j + 1) // G
                nk = (j + 1) % G
                nbb = lax.rem(nblk, 2)

                @pl.when(nk == 0)
                def _():
                    pltpu.make_async_copy(src_hbm.at[wid, 0],
                                          src_v.at[0], isem).wait()
                    pltpu.make_async_copy(dst_hbm.at[wid, 0],
                                          dst_v.at[0], isem).wait()

                start_gather(nbb, nk, 1 - buf)
            return 0

        lax.fori_loop(0, CHUNKS, step, 0)

        if compute_deg:
            pltpu.sync_copy(deg_v, deg_out.at[wid])

        plsc.subcore_barrier()

        pltpu.sync_copy(acc_sh.at[pl.ds(base, ROWS_PT)],
                        acc_out.at[c, pl.ds(base, ROWS_PT)])

    return pl.kernel(
        body, out_type=tuple(out_type), mesh=mesh,
        scratch_types=tuple(scratch),
        compiler_params=pltpu.CompilerParams(needs_layout_passes=False))


_seg_sum_deg = _make_seg_sum(True)
_seg_sum = _make_seg_sum(False)


def _dense_body(acc_ref, degp_ref, h_ref, w_ref, o_ref, *, last):
    deg = jnp.sum(degp_ref[...], axis=1)
    inv = 1.0 / jnp.maximum(deg, 1.0)
    mean = (acc_ref[0] + acc_ref[1]) * inv[:, None]
    z = (jnp.dot(h_ref[...], w_ref[0], preferred_element_type=jnp.float32)
         + jnp.dot(mean, w_ref[1], preferred_element_type=jnp.float32))
    if last:
        z = jax.nn.softmax(z, axis=-1)
    else:
        z = jnp.maximum(z, 0.0)
    nrm = jnp.sqrt(jnp.sum(z * z, axis=-1, keepdims=True))
    o_ref[...] = z / jnp.maximum(nrm, 1e-12)


_BLK = 512


def _dense_layer(acc, degp, h, w, last):
    grid = (NPAD // _BLK,)
    return pl.pallas_call(
        functools.partial(_dense_body, last=last),
        grid=grid,
        in_specs=[
            pl.BlockSpec((NC, _BLK, D), lambda i: (0, i, 0)),
            pl.BlockSpec((_BLK, NW), lambda i: (i, 0)),
            pl.BlockSpec((_BLK, D), lambda i: (i, 0)),
            pl.BlockSpec((2, D, D), lambda i: (0, 0, 0)),
        ],
        out_specs=pl.BlockSpec((_BLK, D), lambda i: (i, 0)),
        out_shape=jax.ShapeDtypeStruct((NPAD, D), jnp.float32),
    )(acc, degp, h, w)


@jax.jit
def kernel(x, edge_index, W1, W2):
    src = jnp.concatenate(
        [edge_index[0].reshape(NW, EPT),
         jnp.full((NW, EPAD), N, jnp.int32)], axis=1).reshape(NW, NBLK, G, CHUNK)
    dst = jnp.concatenate(
        [edge_index[1].reshape(NW, EPT),
         jnp.full((NW, EPAD), NPAD - 1, jnp.int32)], axis=1).reshape(NW, NBLK, G, CHUNK)
    w1 = W1.reshape(2, D, D)
    w2 = W2.reshape(2, D, D)
    xp = jnp.pad(x, ((0, NPAD - N), (0, 0)))

    acc1, degp = _seg_sum_deg(xp, src, dst)
    degp = degp.T
    h1 = _dense_layer(acc1, degp, xp, w1, last=False)
    (acc2,) = _seg_sum(h1, src, dst)
    h2 = _dense_layer(acc2, degp, h1, w2, last=True)
    return h2[:N]

# --- scband reference (transcript-rebuilt; emitter-appended) ---
"""Pipeline reference for scband-graph-sage-embedding-53317724013245 (READ-ONLY COPY).

The authoritative reference and input builder live on the scoring server;
editing this copy changes nothing except your own understanding.
"""

import jax, jax.numpy as jnp
import numpy as np

N = 10000
E = 320000
D = 128


def setup_inputs(seed: int = 0) -> dict:
    key = jax.random.key(seed)
    k1, k2, k3, k4 = jax.random.split(key, 4)
    x = jax.random.normal(k1, (N, D), dtype=jnp.float32)
    edge_index = jax.random.randint(k2, (2, E), 0, N, dtype=jnp.int32)
    # Learned parameters: one MeanAggregator weight per layer, acting on
    # concat(h_self, h_neigh_mean) -> layer_size. bias=False per original.
    W1 = jax.random.normal(k3, (2 * D, D), dtype=jnp.float32) * 0.05
    W2 = jax.random.normal(k4, (2 * D, D), dtype=jnp.float32) * 0.05
    return {"x": x, "edge_index": edge_index, "W1": W1, "W2": W2}


def _sage_layer(h, src, dst, W, act):
    # h_neigh(v) = mean over incoming-edge sources u with edge (u -> v)
    neigh_sum = jax.ops.segment_sum(h[src], dst, num_segments=N)
    deg = jax.ops.segment_sum(jnp.ones((src.shape[0],), dtype=h.dtype), dst,
                              num_segments=N)
    neigh_mean = neigh_sum / jnp.maximum(deg, 1.0)[:, None]
    # hv = act(W . concat(h_v, h_neigh))
    z = act(jnp.concatenate([h, neigh_mean], axis=-1) @ W)
    # per-layer L2 normalization: h_v = hv / l2_norm(hv)
    nrm = jnp.linalg.norm(z, axis=-1, keepdims=True)
    return z / jnp.maximum(nrm, 1e-12)


def reference(x, edge_index, W1, W2):
    src = edge_index[0]
    dst = edge_index[1]
    # GraphSAGE, 2 layers, MeanAggregator, activations ['relu', 'softmax']
    h = _sage_layer(x, src, dst, W1, jax.nn.relu)
    h = _sage_layer(h, src, dst, W2, lambda t: jax.nn.softmax(t, axis=-1))
    return h

if __name__ == "__main__":
    import jax
    _d = setup_inputs()
    print(jax.jit(kernel)(*tuple(_d.values())))

</pallas_src>

<mosaic_0001>
#map = affine_map<(d0, d1) -> (0, 0)>
#map1 = affine_map<(d0, d1) -> (0, 0, 0, 0)>
#map2 = affine_map<(d0, d1) -> (0, 0, 0)>
module attributes {stable_mosaic.version = 14 : i64} {
  func.func @body(%arg0: i32, %arg1: i32, %arg2: memref<10240x128xf32, #tpu.memory_space<hbm>>, %arg3: memref<32x10x8x128xi32, #tpu.memory_space<hbm>>, %arg4: memref<32x10x8x128xi32, #tpu.memory_space<hbm>>, %arg5: memref<2x10240x128xf32, #tpu.memory_space<hbm>>, %arg6: memref<10240x128xf32, #tpu.memory_space<vmem_shared>>, %arg7: memref<2x8x128xi32, #tpu.memory_space<vmem>>, %arg8: memref<2x8x128xi32, #tpu.memory_space<vmem>>, %arg9: memref<2x128x128xf32, #tpu.memory_space<vmem>>, %arg10: memref<!tpu.dma_semaphore, #tpu.memory_space<semaphore_mem>>, %arg11: memref<!tpu.dma_semaphore, #tpu.memory_space<semaphore_mem>>, %arg12: memref<!tpu.dma_semaphore, #tpu.memory_space<semaphore_mem>>) attributes {dimension_semantics = [#tpu.dimension_semantics<core_parallel>, #tpu.dimension_semantics<subcore_parallel>], iteration_bounds = array<i64: 2, 16>, scalar_prefetch = 0 : i64, scratch_operands = 7 : i64, tpu.core_type = #tpu.core_type<sc_vector_subcore>, window_params = [{transform_indices = #map}, {transform_indices = #map1}, {transform_indices = #map1}, {transform_indices = #map2}]} {
    %mul3A = arith.constant 16 : i32
    %mul3A_0 = arith.muli %arg0, %mul3A : i32
    %add3A = arith.addi %mul3A_0, %arg1 : i32
    %run_scoped3A = arith.constant 0 : i32
    %run_scoped3A_1 = arith.constant 0 : i32
    "tpu.region"() ({
      %run_scoped3A_42 = tpu.sem_alloc : memref<!tpu.dma_semaphore, #tpu.memory_space<semaphore_mem>>
      %dma_start3A_43 = arith.constant 0 : i32
      %dma_start3A_44 = arith.constant 0 : i32
      %dma_start3A_45 = tpu.memref_slice %arg7[%run_scoped3A_1, %dma_start3A_43, %dma_start3A_44] : memref<2x8x128xi32, #tpu.memory_space<vmem>> -> memref<1x8x128xi32, #tpu.memory_space<vmem>>
      %dma_start3A_46 = tpu.memref_squeeze %dma_start3A_45 : memref<1x8x128xi32, #tpu.memory_space<vmem>> -> memref<8x128xi32, #tpu.memory_space<vmem>>
      %dma_start3A_47 = arith.constant 0 : i32
      %dma_start3A_48 = arith.constant 0 : i32
      %dma_start3A_49 = tpu.memref_slice %arg3[%add3A, %run_scoped3A, %dma_start3A_47, %dma_start3A_48] : memref<32x10x8x128xi32, #tpu.memory_space<hbm>> -> memref<1x1x8x128xi32, #tpu.memory_space<hbm>>
      %dma_start3A_50 = tpu.memref_squeeze %dma_start3A_49 : memref<1x1x8x128xi32, #tpu.memory_space<hbm>> -> memref<8x128xi32, #tpu.memory_space<hbm>>
      %dma_start3A_51 = arith.constant 0 : i32
      %dma_start3A_52 = arith.constant 0 : i32
      %dma_start3A_53 = tpu.memref_slice %arg7[%run_scoped3A_1, %dma_start3A_51, %dma_start3A_52] : memref<2x8x128xi32, #tpu.memory_space<vmem>> -> memref<1x8x128xi32, #tpu.memory_space<vmem>>
      %dma_start3A_54 = tpu.memref_squeeze %dma_start3A_53 : memref<1x8x128xi32, #tpu.memory_space<vmem>> -> memref<8x128xi32, #tpu.memory_space<vmem>>
      %dma_start3A_55 = arith.constant 0 : i32
      %dma_start3A_56 = arith.constant 0 : i32
      %dma_start3A_57 = tpu.memref_slice %arg3[%add3A, %run_scoped3A, %dma_start3A_55, %dma_start3A_56] : memref<32x10x8x128xi32, #tpu.memory_space<hbm>> -> memref<1x1x8x128xi32, #tpu.memory_space<hbm>>
      %dma_start3A_58 = tpu.memref_squeeze %dma_start3A_57 : memref<1x1x8x128xi32, #tpu.memory_space<hbm>> -> memref<8x128xi32, #tpu.memory_space<hbm>>
      tpu.enqueue_dma source(%dma_start3A_58 : memref<8x128xi32, #tpu.memory_space<hbm>>) target(%dma_start3A_54 : memref<8x128xi32, #tpu.memory_space<vmem>>) target_semaphore(%run_scoped3A_42 : memref<!tpu.dma_semaphore, #tpu.memory_space<semaphore_mem>>)
      %dma_wait3A = arith.constant 0 : i32
      %dma_wait3A_59 = arith.constant 0 : i32
      %dma_wait3A_60 = tpu.memref_slice %arg7[%run_scoped3A_1, %dma_wait3A, %dma_wait3A_59] : memref<2x8x128xi32, #tpu.memory_space<vmem>> -> memref<1x8x128xi32, #tpu.memory_space<vmem>>
      %dma_wait3A_61 = tpu.memref_squeeze %dma_wait3A_60 : memref<1x8x128xi32, #tpu.memory_space<vmem>> -> memref<8x128xi32, #tpu.memory_space<vmem>>
      %dma_wait3A_62 = arith.constant 0 : i32
      %dma_wait3A_63 = arith.constant 0 : i32
      %dma_wait3A_64 = tpu.memref_slice %arg3[%add3A, %run_scoped3A, %dma_wait3A_62, %dma_wait3A_63] : memref<32x10x8x128xi32, #tpu.memory_space<hbm>> -> memref<1x1x8x128xi32, #tpu.memory_space<hbm>>
      %dma_wait3A_65 = tpu.memref_squeeze %dma_wait3A_64 : memref<1x1x8x128xi32, #tpu.memory_space<hbm>> -> memref<8x128xi32, #tpu.memory_space<hbm>>
      %dma_wait3A_66 = arith.constant 0 : i32
      %dma_wait3A_67 = arith.constant 0 : i32
      %dma_wait3A_68 = tpu.memref_slice %arg7[%run_scoped3A_1, %dma_wait3A_66, %dma_wait3A_67] : memref<2x8x128xi32, #tpu.memory_space<vmem>> -> memref<1x8x128xi32, #tpu.memory_space<vmem>>
      %dma_wait3A_69 = tpu.memref_squeeze %dma_wait3A_68 : memref<1x8x128xi32, #tpu.memory_space<vmem>> -> memref<8x128xi32, #tpu.memory_space<vmem>>
      %dma_wait3A_70 = arith.constant 0 : i32
      %dma_wait3A_71 = arith.constant 0 : i32
      %dma_wait3A_72 = tpu.memref_slice %arg3[%add3A, %run_scoped3A, %dma_wait3A_70, %dma_wait3A_71] : memref<32x10x8x128xi32, #tpu.memory_space<hbm>> -> memref<1x1x8x128xi32, #tpu.memory_space<hbm>>
      %dma_wait3A_73 = tpu.memref_squeeze %dma_wait3A_72 : memref<1x1x8x128xi32, #tpu.memory_space<hbm>> -> memref<8x128xi32, #tpu.memory_space<hbm>>
      tpu.wait_dma2 semaphore(%run_scoped3A_42 : memref<!tpu.dma_semaphore, #tpu.memory_space<semaphore_mem>>) src(%dma_wait3A_73 : memref<8x128xi32, #tpu.memory_space<hbm>>) dst(%dma_wait3A_69 : memref<8x128xi32, #tpu.memory_space<vmem>>)
      tpu.yield
    }) : () -> ()
    %run_scoped3A_2 = arith.constant 0 : i32
    %run_scoped3A_3 = arith.constant 0 : i32
    "tpu.region"() ({
      %run_scoped3A_42 = tpu.sem_alloc : memref<!tpu.dma_semaphore, #tpu.memory_space<semaphore_mem>>
      %dma_start3A_43 = arith.constant 0 : i32
      %dma_start3A_44 = arith.constant 0 : i32
      %dma_start3A_45 = tpu.memref_slice %arg8[%run_scoped3A_3, %dma_start3A_43, %dma_start3A_44] : memref<2x8x128xi32, #tpu.memory_space<vmem>> -> memref<1x8x128xi32, #tpu.memory_space<vmem>>
      %dma_start3A_46 = tpu.memref_squeeze %dma_start3A_45 : memref<1x8x128xi32, #tpu.memory_space<vmem>> -> memref<8x128xi32, #tpu.memory_space<vmem>>
      %dma_start3A_47 = arith.constant 0 : i32
      %dma_start3A_48 = arith.constant 0 : i32
      %dma_start3A_49 = tpu.memref_slice %arg4[%add3A, %run_scoped3A_2, %dma_start3A_47, %dma_start3A_48] : memref<32x10x8x128xi32, #tpu.memory_space<hbm>> -> memref<1x1x8x128xi32, #tpu.memory_space<hbm>>
      %dma_start3A_50 = tpu.memref_squeeze %dma_start3A_49 : memref<1x1x8x128xi32, #tpu.memory_space<hbm>> -> memref<8x128xi32, #tpu.memory_space<hbm>>
      %dma_start3A_51 = arith.constant 0 : i32
      %dma_start3A_52 = arith.constant 0 : i32
      %dma_start3A_53 = tpu.memref_slice %arg8[%run_scoped3A_3, %dma_start3A_51, %dma_start3A_52] : memref<2x8x128xi32, #tpu.memory_space<vmem>> -> memref<1x8x128xi32, #tpu.memory_space<vmem>>
      %dma_start3A_54 = tpu.memref_squeeze %dma_start3A_53 : memref<1x8x128xi32, #tpu.memory_space<vmem>> -> memref<8x128xi32, #tpu.memory_space<vmem>>
      %dma_start3A_55 = arith.constant 0 : i32
      %dma_start3A_56 = arith.constant 0 : i32
      %dma_start3A_57 = tpu.memref_slice %arg4[%add3A, %run_scoped3A_2, %dma_start3A_55, %dma_start3A_56] : memref<32x10x8x128xi32, #tpu.memory_space<hbm>> -> memref<1x1x8x128xi32, #tpu.memory_space<hbm>>
      %dma_start3A_58 = tpu.memref_squeeze %dma_start3A_57 : memref<1x1x8x128xi32, #tpu.memory_space<hbm>> -> memref<8x128xi32, #tpu.memory_space<hbm>>
      tpu.enqueue_dma source(%dma_start3A_58 : memref<8x128xi32, #tpu.memory_space<hbm>>) target(%dma_start3A_54 : memref<8x128xi32, #tpu.memory_space<vmem>>) target_semaphore(%run_scoped3A_42 : memref<!tpu.dma_semaphore, #tpu.memory_space<semaphore_mem>>)
      %dma_wait3A = arith.constant 0 : i32
      %dma_wait3A_59 = arith.constant 0 : i32
      %dma_wait3A_60 = tpu.memref_slice %arg8[%run_scoped3A_3, %dma_wait3A, %dma_wait3A_59] : memref<2x8x128xi32, #tpu.memory_space<vmem>> -> memref<1x8x128xi32, #tpu.memory_space<vmem>>
      %dma_wait3A_61 = tpu.memref_squeeze %dma_wait3A_60 : memref<1x8x128xi32, #tpu.memory_space<vmem>> -> memref<8x128xi32, #tpu.memory_space<vmem>>
      %dma_wait3A_62 = arith.constant 0 : i32
      %dma_wait3A_63 = arith.constant 0 : i32
      %dma_wait3A_64 = tpu.memref_slice %arg4[%add3A, %run_scoped3A_2, %dma_wait3A_62, %dma_wait3A_63] : memref<32x10x8x128xi32, #tpu.memory_space<hbm>> -> memref<1x1x8x128xi32, #tpu.memory_space<hbm>>
      %dma_wait3A_65 = tpu.memref_squeeze %dma_wait3A_64 : memref<1x1x8x128xi32, #tpu.memory_space<hbm>> -> memref<8x128xi32, #tpu.memory_space<hbm>>
      %dma_wait3A_66 = arith.constant 0 : i32
      %dma_wait3A_67 = arith.constant 0 : i32
      %dma_wait3A_68 = tpu.memref_slice %arg8[%run_scoped3A_3, %dma_wait3A_66, %dma_wait3A_67] : memref<2x8x128xi32, #tpu.memory_space<vmem>> -> memref<1x8x128xi32, #tpu.memory_space<vmem>>
      %dma_wait3A_69 = tpu.memref_squeeze %dma_wait3A_68 : memref<1x8x128xi32, #tpu.memory_space<vmem>> -> memref<8x128xi32, #tpu.memory_space<vmem>>
      %dma_wait3A_70 = arith.constant 0 : i32
      %dma_wait3A_71 = arith.constant 0 : i32
      %dma_wait3A_72 = tpu.memref_slice %arg4[%add3A, %run_scoped3A_2, %dma_wait3A_70, %dma_wait3A_71] : memref<32x10x8x128xi32, #tpu.memory_space<hbm>> -> memref<1x1x8x128xi32, #tpu.memory_space<hbm>>
      %dma_wait3A_73 = tpu.memref_squeeze %dma_wait3A_72 : memref<1x1x8x128xi32, #tpu.memory_space<hbm>> -> memref<8x128xi32, #tpu.memory_space<hbm>>
      tpu.wait_dma2 semaphore(%run_scoped3A_42 : memref<!tpu.dma_semaphore, #tpu.memory_space<semaphore_mem>>) src(%dma_wait3A_73 : memref<8x128xi32, #tpu.memory_space<hbm>>) dst(%dma_wait3A_69 : memref<8x128xi32, #tpu.memory_space<vmem>>)
      tpu.yield
    }) : () -> ()
    %broadcast_in_dim3A = arith.constant 0.000000e+00 : f32
    %broadcast_in_dim3A_4 = vector.broadcast %broadcast_in_dim3A : f32 to vector<16xf32>
    %scan3A = arith.constant 0 : i32
    %scan3A_5 = arith.constant 0 : i32
    %scan3A_6 = arith.constant 256 : i32
    %scan3A_7 = arith.addi %scan3A_5, %scan3A_6 : i32
    %scan3A_8 = arith.constant 1 : i32
    %scan3A_9 = scf.for %scan3A_42 = %scan3A_5 to %scan3A_7 step %scan3A_8 iter_args(%scan3A_43 = %scan3A) -> (i32)  : i32 {
      %jit3A = arith.constant 8 : i32
      %div3A = arith.divsi %scan3A_42, %jit3A : i32
      %sign3A = arith.constant 0 : i32
      %sign3A_44 = arith.cmpi sgt, %scan3A_42, %sign3A : i32
      %sign3A_45 = arith.extui %sign3A_44 : i1 to i32
      %sign3A_46 = arith.constant 0 : i32
      %sign3A_47 = arith.cmpi slt, %scan3A_42, %sign3A_46 : i32
      %sign3A_48 = arith.extui %sign3A_47 : i1 to i32
      %sign3A_49 = arith.subi %sign3A_45, %sign3A_48 : i32
      %sign3A_50 = arith.constant 0 : i32
      %sign3A_51 = arith.cmpi sgt, %jit3A, %sign3A_50 : i32
      %sign3A_52 = arith.extui %sign3A_51 : i1 to i32
      %sign3A_53 = arith.constant 0 : i32
      %sign3A_54 = arith.cmpi slt, %jit3A, %sign3A_53 : i32
      %sign3A_55 = arith.extui %sign3A_54 : i1 to i32
      %sign3A_56 = arith.subi %sign3A_52, %sign3A_55 : i32
      %ne3A = arith.cmpi ne, %sign3A_49, %sign3A_56 : i32
      %rem3A = arith.remsi %scan3A_42, %jit3A : i32
      %ne3A_57 = arith.constant 0 : i32
      %ne3A_58 = arith.cmpi ne, %rem3A, %ne3A_57 : i32
      %and3A = arith.andi %ne3A, %ne3A_58 : i1
      %sub3A = arith.constant 1 : i32
      %sub3A_59 = arith.subi %div3A, %sub3A : i32
      %select_n3A = arith.select %and3A, %sub3A_59, %div3A : i32
      %jit3A_60 = arith.constant 8 : i32
      %eq3A = arith.constant 0 : i32
      %eq3A_61 = arith.cmpi eq, %jit3A_60, %eq3A : i32
      %jit3A_62 = arith.constant 1 : i32
      %select_n3A_63 = arith.select %eq3A_61, %jit3A_62, %jit3A_60 : i32
      %rem3A_64 = arith.remsi %scan3A_42, %select_n3A_63 : i32
      %ne3A_65 = arith.constant 0 : i32
      %ne3A_66 = arith.cmpi ne, %rem3A_64, %ne3A_65 : i32
      %lt3A = arith.constant 0 : i32
      %lt3A_67 = arith.cmpi slt, %rem3A_64, %lt3A : i32
      %lt3A_68 = arith.constant 0 : i32
      %lt3A_69 = arith.cmpi slt, %select_n3A_63, %lt3A_68 : i32
      %ne3A_70 = arith.xori %lt3A_67, %lt3A_69 : i1
      %and3A_71 = arith.andi %ne3A_70, %ne3A_66 : i1
      %add3A_72 = arith.addi %rem3A_64, %select_n3A_63 : i32
      %select_n3A_73 = arith.select %and3A_71, %add3A_72, %rem3A_64 : i32
      %mul3A_74 = arith.constant 16 : i32
      %mul3A_75 = arith.muli %select_n3A_73, %mul3A_74 : i32
      %swap3A = arith.constant 0 : i32
      %swap3A_76 = arith.index_cast %swap3A : i32 to index
      %swap3A_77 = arith.index_cast %select_n3A : i32 to index
      %swap3A_78 = arith.index_cast %mul3A_75 : i32 to index
      %swap3A_79 = tpu.vector_load %arg9[%swap3A_76, %swap3A_77, %swap3A_78] {strides = array<i32>} : memref<2x128x128xf32, #tpu.memory_space<vmem>>, vector<16xf32>,
      tpu.vector_store %arg9[%swap3A_76, %swap3A_77, %swap3A_78], %broadcast_in_dim3A_4 {strides = array<i32>} : memref<2x128x128xf32, #tpu.memory_space<vmem>>, vector<16xf32>,
      %scan3A_80 = arith.constant 0 : i32
      scf.yield %scan3A_80 : i32
    }
    %scan3A_10 = arith.constant 256 : i32
    %mul3A_11 = arith.constant 640 : i32
    %mul3A_12 = arith.muli %arg1, %mul3A_11 : i32
    %scan3A_13 = arith.constant 0 : i32
    %scan3A_14 = arith.constant 0 : i32
    %scan3A_15 = arith.constant 20 : i32
    %scan3A_16 = arith.addi %scan3A_14, %scan3A_15 : i32
    %scan3A_17 = arith.constant 1 : i32
    %scan3A_18 = scf.for %scan3A_42 = %scan3A_14 to %scan3A_16 step %scan3A_17 iter_args(%scan3A_43 = %scan3A_13) -> (i32)  : i32 {
      %mul3A_44 = arith.constant 32 : i32
      %mul3A_45 = arith.muli %scan3A_42, %mul3A_44 : i32
      %add3A_46 = arith.addi %mul3A_12, %mul3A_45 : i32
      %run_scoped3A_47 = arith.constant 0 : i32
      "tpu.region"() ({
        %run_scoped3A_49 = tpu.sem_alloc : memref<!tpu.dma_semaphore, #tpu.memory_space<semaphore_mem>>
        %dma_start3A_50 = arith.constant 0 : i32
        %dma_start3A_51 = arith.constant 0 : i32
        %dma_start3A_52 = tpu.memref_slice %arg9[%run_scoped3A_47, %dma_start3A_50, %dma_start3A_51] : memref<2x128x128xf32, #tpu.memory_space<vmem>> -> memref<1x32x128xf32, #tpu.memory_space<vmem>>
        %dma_start3A_53 = tpu.memref_squeeze %dma_start3A_52 : memref<1x32x128xf32, #tpu.memory_space<vmem>> -> memref<32x128xf32, #tpu.memory_space<vmem>>
        %dma_start3A_54 = arith.constant 0 : i32
        %dma_start3A_55 = tpu.memref_slice %arg6[%add3A_46, %dma_start3A_54] : memref<10240x128xf32, #tpu.memory_space<vmem_shared>> -> memref<32x128xf32, #tpu.memory_space<vmem_shared>>
        %dma_start3A_56 = arith.constant 0 : i32
        %dma_start3A_57 = tpu.memref_slice %arg6[%add3A_46, %dma_start3A_56] : memref<10240x128xf32, #tpu.memory_space<vmem_shared>> -> memref<32x128xf32, #tpu.memory_space<vmem_shared>>
        %dma_start3A_58 = arith.constant 0 : i32
        %dma_start3A_59 = arith.constant 0 : i32
        %dma_start3A_60 = tpu.memref_slice %arg9[%run_scoped3A_47, %dma_start3A_58, %dma_start3A_59] : memref<2x128x128xf32, #tpu.memory_space<vmem>> -> memref<1x32x128xf32, #tpu.memory_space<vmem>>
        %dma_start3A_61 = tpu.memref_squeeze %dma_start3A_60 : memref<1x32x128xf32, #tpu.memory_space<vmem>> -> memref<32x128xf32, #tpu.memory_space<vmem>>
        tpu.enqueue_dma source(%dma_start3A_61 : memref<32x128xf32, #tpu.memory_space<vmem>>) target(%dma_start3A_57 : memref<32x128xf32, #tpu.memory_space<vmem_shared>>) target_semaphore(%run_scoped3A_49 : memref<!tpu.dma_semaphore, #tpu.memory_space<semaphore_mem>>)
        %dma_wait3A = arith.constant 0 : i32
        %dma_wait3A_62 = arith.constant 0 : i32
        %dma_wait3A_63 = tpu.memref_slice %arg9[%run_scoped3A_47, %dma_wait3A, %dma_wait3A_62] : memref<2x128x128xf32, #tpu.memory_space<vmem>> -> memref<1x32x128xf32, #tpu.memory_space<vmem>>
        %dma_wait3A_64 = tpu.memref_squeeze %dma_wait3A_63 : memref<1x32x128xf32, #tpu.memory_space<vmem>> -> memref<32x128xf32, #tpu.memory_space<vmem>>
        %dma_wait3A_65 = arith.constant 0 : i32
        %dma_wait3A_66 = tpu.memref_slice %arg6[%add3A_46, %dma_wait3A_65] : memref<10240x128xf32, #tpu.memory_space<vmem_shared>> -> memref<32x128xf32, #tpu.memory_space<vmem_shared>>
        %dma_wait3A_67 = arith.constant 0 : i32
        %dma_wait3A_68 = tpu.memref_slice %arg6[%add3A_46, %dma_wait3A_67] : memref<10240x128xf32, #tpu.memory_space<vmem_shared>> -> memref<32x128xf32, #tpu.memory_space<vmem_shared>>
        %dma_wait3A_69 = arith.constant 0 : i32
        %dma_wait3A_70 = arith.constant 0 : i32
        %dma_wait3A_71 = tpu.memref_slice %arg9[%run_scoped3A_47, %dma_wait3A_69, %dma_wait3A_70] : memref<2x128x128xf32, #tpu.memory_space<vmem>> -> memref<1x32x128xf32, #tpu.memory_space<vmem>>
        %dma_wait3A_72 = tpu.memref_squeeze %dma_wait3A_71 : memref<1x32x128xf32, #tpu.memory_space<vmem>> -> memref<32x128xf32, #tpu.memory_space<vmem>>
        tpu.wait_dma2 semaphore(%run_scoped3A_49 : memref<!tpu.dma_semaphore, #tpu.memory_space<semaphore_mem>>) src(%dma_wait3A_72 : memref<32x128xf32, #tpu.memory_space<vmem>>) dst(%dma_wait3A_68 : memref<32x128xf32, #tpu.memory_space<vmem_shared>>)
        tpu.yield
      }) : () -> ()
      %scan3A_48 = arith.constant 0 : i32
      scf.yield %scan3A_48 : i32
    }
    %scan3A_19 = arith.constant 20 : i32
    %barrier3A = arith.constant 0 : index
    tpu.barrier barrier_id(%barrier3A)
    %broadcast_in_dim3A_20 = arith.constant 1.000000e+00 : f32
    %broadcast_in_dim3A_21 = vector.broadcast %broadcast_in_dim3A_20 : f32 to vector<16xf32>
    %dma_start3A = arith.constant 0 : i32
    %dma_start3A_22 = arith.constant 0 : i32
    %dma_start3A_23 = arith.constant 0 : i32
    %dma_start3A_24 = arith.constant 0 : i32
    %dma_start3A_25 = arith.constant 0 : i32
    %dma_start3A_26 = tpu.memref_slice %arg9[%dma_start3A_23, %dma_start3A_24, %dma_start3A_25] : memref<2x128x128xf32, #tpu.memory_space<vmem>> -> memref<1x128x128xf32, #tpu.memory_space<vmem>>
    %dma_start3A_27 = tpu.memref_squeeze %dma_start3A_26 : memref<1x128x128xf32, #tpu.memory_space<vmem>> -> memref<128x128xf32, #tpu.memory_space<vmem>>
    %dma_start3A_28 = arith.constant 0 : i32
    %dma_start3A_29 = tpu.memref_slice %arg7[%dma_start3A, %dma_start3A_22, %dma_start3A_28] : memref<2x8x128xi32, #tpu.memory_space<vmem>> -> memref<1x1x128xi32, #tpu.memory_space<vmem>>
    %dma_start3A_30 = tpu.memref_squeeze %dma_start3A_29 : memref<1x1x128xi32, #tpu.memory_space<vmem>> -> memref<128xi32, #tpu.memory_space<vmem>>
    %dma_start3A_31 = arith.constant 0 : i32
    %dma_start3A_32 = arith.constant 0 : i32
    %dma_start3A_33 = tpu.memref_slice %arg2[%dma_start3A_31, %dma_start3A_32] : memref<10240x128xf32, #tpu.memory_space<hbm>> -> memref<10240x128xf32, #tpu.memory_space<hbm>>
    tpu.enqueue_indirect_dma source(%dma_start3A_33 : memref<10240x128xf32, #tpu.memory_space<hbm>>) target(%dma_start3A_27 : memref<128x128xf32, #tpu.memory_space<vmem>>) offsets(%dma_start3A_30 : memref<128xi32, #tpu.memory_space<vmem>>) semaphore(%arg10 : memref<!tpu.dma_semaphore, #tpu.memory_space<semaphore_mem>>)
    %scan3A_34 = arith.constant 0 : i32
    %scan3A_35 = arith.constant 0 : i32
    %scan3A_36 = arith.constant 80 : i32
    %scan3A_37 = arith.addi %scan3A_35, %scan3A_36 : i32
    %scan3A_38 = arith.constant 1 : i32
    %scan3A_39 = scf.for %scan3A_42 = %scan3A_35 to %scan3A_37 step %scan3A_38 iter_args(%scan3A_43 = %scan3A_34) -> (i32)  : i32 {
      %jit3A = arith.constant 8 : i32
      %div3A = arith.divsi %scan3A_42, %jit3A : i32
      %sign3A = arith.constant 0 : i32
      %sign3A_44 = arith.cmpi sgt, %scan3A_42, %sign3A : i32
      %sign3A_45 = arith.extui %sign3A_44 : i1 to i32
      %sign3A_46 = arith.constant 0 : i32
      %sign3A_47 = arith.cmpi slt, %scan3A_42, %sign3A_46 : i32
      %sign3A_48 = arith.extui %sign3A_47 : i1 to i32
      %sign3A_49 = arith.subi %sign3A_45, %sign3A_48 : i32
      %sign3A_50 = arith.constant 0 : i32
      %sign3A_51 = arith.cmpi sgt, %jit3A, %sign3A_50 : i32
      %sign3A_52 = arith.extui %sign3A_51 : i1 to i32
      %sign3A_53 = arith.constant 0 : i32
      %sign3A_54 = arith.cmpi slt, %jit3A, %sign3A_53 : i32
      %sign3A_55 = arith.extui %sign3A_54 : i1 to i32
      %sign3A_56 = arith.subi %sign3A_52, %sign3A_55 : i32
      %ne3A = arith.cmpi ne, %sign3A_49, %sign3A_56 : i32
      %rem3A = arith.remsi %scan3A_42, %jit3A : i32
      %ne3A_57 = arith.constant 0 : i32
      %ne3A_58 = arith.cmpi ne, %rem3A, %ne3A_57 : i32
      %and3A = arith.andi %ne3A, %ne3A_58 : i1
      %sub3A = arith.constant 1 : i32
      %sub3A_59 = arith.subi %div3A, %sub3A : i32
      %select_n3A = arith.select %and3A, %sub3A_59, %div3A : i32
      %jit3A_60 = arith.constant 8 : i32
      %eq3A = arith.constant 0 : i32
      %eq3A_61 = arith.cmpi eq, %jit3A_60, %eq3A : i32
      %jit3A_62 = arith.constant 1 : i32
      %select_n3A_63 = arith.select %eq3A_61, %jit3A_62, %jit3A_60 : i32
      %rem3A_64 = arith.remsi %scan3A_42, %select_n3A_63 : i32
      %ne3A_65 = arith.constant 0 : i32
      %ne3A_66 = arith.cmpi ne, %rem3A_64, %ne3A_65 : i32
      %lt3A = arith.constant 0 : i32
      %lt3A_67 = arith.cmpi slt, %rem3A_64, %lt3A : i32
      %lt3A_68 = arith.constant 0 : i32
      %lt3A_69 = arith.cmpi slt, %select_n3A_63, %lt3A_68 : i32
      %ne3A_70 = arith.xori %lt3A_67, %lt3A_69 : i1
      %and3A_71 = arith.andi %ne3A_70, %ne3A_66 : i1
      %add3A_72 = arith.addi %rem3A_64, %select_n3A_63 : i32
      %select_n3A_73 = arith.select %and3A_71, %add3A_72, %rem3A_64 : i32
      %rem3A_74 = arith.constant 2 : i32
      %rem3A_75 = arith.remsi %select_n3A, %rem3A_74 : i32
      %rem3A_76 = arith.constant 2 : i32
      %rem3A_77 = arith.remsi %scan3A_42, %rem3A_76 : i32
      %eq3A_78 = arith.constant 0 : i32
      %eq3A_79 = arith.cmpi eq, %select_n3A_73, %eq3A_78 : i32
      %add3A_80 = arith.constant 1 : i32
      %add3A_81 = arith.addi %select_n3A, %add3A_80 : i32
      %lt3A_82 = arith.constant 10 : i32
      %lt3A_83 = arith.cmpi slt, %add3A_81, %lt3A_82 : i32
      %and3A_84 = arith.andi %eq3A_79, %lt3A_83 : i1
      %convert_element_type3A = arith.extui %and3A_84 : i1 to i32
      %cond3A = arith.constant 0 : i32
      %cond3A_85 = arith.cmpi ne, %convert_element_type3A, %cond3A : i32
      scf.if %cond3A_85 {
        %add3A_105 = arith.constant 1 : i32
        %add3A_106 = arith.addi %select_n3A, %add3A_105 : i32
        %rem3A_107 = arith.constant 2 : i32
        %rem3A_108 = arith.remsi %add3A_106, %rem3A_107 : i32
        %add3A_109 = arith.constant 1 : i32
        %add3A_110 = arith.addi %select_n3A, %add3A_109 : i32
        %dma_start3A_111 = arith.constant 0 : i32
        %dma_start3A_112 = arith.constant 0 : i32
        %dma_start3A_113 = tpu.memref_slice %arg7[%rem3A_108, %dma_start3A_111, %dma_start3A_112] : memref<2x8x128xi32, #tpu.memory_space<vmem>> -> memref<1x8x128xi32, #tpu.memory_space<vmem>>
        %dma_start3A_114 = tpu.memref_squeeze %dma_start3A_113 : memref<1x8x128xi32, #tpu.memory_space<vmem>> -> memref<8x128xi32, #tpu.memory_space<vmem>>
        %dma_start3A_115 = arith.constant 0 : i32
        %dma_start3A_116 = arith.constant 0 : i32
        %dma_start3A_117 = tpu.memref_slice %arg3[%add3A, %add3A_110, %dma_start3A_115, %dma_start3A_116] : memref<32x10x8x128xi32, #tpu.memory_space<hbm>> -> memref<1x1x8x128xi32, #tpu.memory_space<hbm>>
        %dma_start3A_118 = tpu.memref_squeeze %dma_start3A_117 : memref<1x1x8x128xi32, #tpu.memory_space<hbm>> -> memref<8x128xi32, #tpu.memory_space<hbm>>
        %dma_start3A_119 = arith.constant 0 : i32
        %dma_start3A_120 = arith.constant 0 : i32
        %dma_start3A_121 = tpu.memref_slice %arg7[%rem3A_108, %dma_start3A_119, %dma_start3A_120] : memref<2x8x128xi32, #tpu.memory_space<vmem>> -> memref<1x8x128xi32, #tpu.memory_space<vmem>>
        %dma_start3A_122 = tpu.memref_squeeze %dma_start3A_121 : memref<1x8x128xi32, #tpu.memory_space<vmem>> -> memref<8x128xi32, #tpu.memory_space<vmem>>
        %dma_start3A_123 = arith.constant 0 : i32
        %dma_start3A_124 = arith.constant 0 : i32
        %dma_start3A_125 = tpu.memref_slice %arg3[%add3A, %add3A_110, %dma_start3A_123, %dma_start3A_124] : memref<32x10x8x128xi32, #tpu.memory_space<hbm>> -> memref<1x1x8x128xi32, #tpu.memory_space<hbm>>
        %dma_start3A_126 = tpu.memref_squeeze %dma_start3A_125 : memref<1x1x8x128xi32, #tpu.memory_space<hbm>> -> memref<8x128xi32, #tpu.memory_space<hbm>>
        tpu.enqueue_dma source(%dma_start3A_126 : memref<8x128xi32, #tpu.memory_space<hbm>>) target(%dma_start3A_122 : memref<8x128xi32, #tpu.memory_space<vmem>>) target_semaphore(%arg12 : memref<!tpu.dma_semaphore, #tpu.memory_space<semaphore_mem>>)
        %add3A_127 = arith.constant 1 : i32
        %add3A_128 = arith.addi %select_n3A, %add3A_127 : i32
        %dma_start3A_129 = arith.constant 0 : i32
        %dma_start3A_130 = arith.constant 0 : i32
        %dma_start3A_131 = tpu.memref_slice %arg8[%rem3A_108, %dma_start3A_129, %dma_start3A_130] : memref<2x8x128xi32, #tpu.memory_space<vmem>> -> memref<1x8x128xi32, #tpu.memory_space<vmem>>
        %dma_start3A_132 = tpu.memref_squeeze %dma_start3A_131 : memref<1x8x128xi32, #tpu.memory_space<vmem>> -> memref<8x128xi32, #tpu.memory_space<vmem>>
        %dma_start3A_133 = arith.constant 0 : i32
        %dma_start3A_134 = arith.constant 0 : i32
        %dma_start3A_135 = tpu.memref_slice %arg4[%add3A, %add3A_128, %dma_start3A_133, %dma_start3A_134] : memref<32x10x8x128xi32, #tpu.memory_space<hbm>> -> memref<1x1x8x128xi32, #tpu.memory_space<hbm>>
        %dma_start3A_136 = tpu.memref_squeeze %dma_start3A_135 : memref<1x1x8x128xi32, #tpu.memory_space<hbm>> -> memref<8x128xi32, #tpu.memory_space<hbm>>
        %dma_start3A_137 = arith.constant 0 : i32
        %dma_start3A_138 = arith.constant 0 : i32
        %dma_start3A_139 = tpu.memref_slice %arg8[%rem3A_108, %dma_start3A_137, %dma_start3A_138] : memref<2x8x128xi32, #tpu.memory_space<vmem>> -> memref<1x8x128xi32, #tpu.memory_space<vmem>>
        %dma_start3A_140 = tpu.memref_squeeze %dma_start3A_139 : memref<1x8x128xi32, #tpu.memory_space<vmem>> -> memref<8x128xi32, #tpu.memory_space<vmem>>
        %dma_start3A_141 = arith.constant 0 : i32
        %dma_start3A_142 = arith.constant 0 : i32
        %dma_start3A_143 = tpu.memref_slice %arg4[%add3A, %add3A_128, %dma_start3A_141, %dma_start3A_142] : memref<32x10x8x128xi32, #tpu.memory_space<hbm>> -> memref<1x1x8x128xi32, #tpu.memory_space<hbm>>
        %dma_start3A_144 = tpu.memref_squeeze %dma_start3A_143 : memref<1x1x8x128xi32, #tpu.memory_space<hbm>> -> memref<8x128xi32, #tpu.memory_space<hbm>>
        tpu.enqueue_dma source(%dma_start3A_144 : memref<8x128xi32, #tpu.memory_space<hbm>>) target(%dma_start3A_140 : memref<8x128xi32, #tpu.memory_space<vmem>>) target_semaphore(%arg12 : memref<!tpu.dma_semaphore, #tpu.memory_space<semaphore_mem>>)
      } else {
      }
      %dma_wait3A = arith.constant 0 : i32
      %dma_wait3A_86 = arith.constant 0 : i32
      %dma_wait3A_87 = arith.constant 0 : i32
      %dma_wait3A_88 = arith.constant 0 : i32
      %dma_wait3A_89 = tpu.memref_slice %arg9[%rem3A_77, %dma_wait3A_87, %dma_wait3A_88] : memref<2x128x128xf32, #tpu.memory_space<vmem>> -> memref<1x128x128xf32, #tpu.memory_space<vmem>>
      %dma_wait3A_90 = tpu.memref_squeeze %dma_wait3A_89 : memref<1x128x128xf32, #tpu.memory_space<vmem>> -> memref<128x128xf32, #tpu.memory_space<vmem>>
      %dma_wait3A_91 = arith.constant 0 : i32
      %dma_wait3A_92 = tpu.memref_slice %arg7[%dma_wait3A, %dma_wait3A_86, %dma_wait3A_91] : memref<2x8x128xi32, #tpu.memory_space<vmem>> -> memref<1x1x128xi32, #tpu.memory_space<vmem>>
      %dma_wait3A_93 = tpu.memref_squeeze %dma_wait3A_92 : memref<1x1x128xi32, #tpu.memory_space<vmem>> -> memref<128xi32, #tpu.memory_space<vmem>>
      %dma_wait3A_94 = arith.constant 0 : i32
      %dma_wait3A_95 = arith.constant 0 : i32
      %dma_wait3A_96 = tpu.memref_slice %arg2[%dma_wait3A_94, %dma_wait3A_95] : memref<10240x128xf32, #tpu.memory_space<hbm>> -> memref<10240x128xf32, #tpu.memory_space<hbm>>
      tpu.wait_indirect_dma semaphore(%arg10 : memref<!tpu.dma_semaphore, #tpu.memory_space<semaphore_mem>>) src(%dma_wait3A_96 : memref<10240x128xf32, #tpu.memory_space<hbm>>) dst(%dma_wait3A_90 : memref<128x128xf32, #tpu.memory_space<vmem>>)
      %add3A_97 = arith.constant 1 : i32
      %add3A_98 = arith.addi %scan3A_42, %add3A_97 : i32
      %lt3A_99 = arith.constant 80 : i32
      %lt3A_100 = arith.cmpi slt, %add3A_98, %lt3A_99 : i32
      %convert_element_type3A_101 = arith.extui %lt3A_100 : i1 to i32
      %cond3A_102 = arith.constant 0 : i32
      %cond3A_103 = arith.cmpi ne, %convert_element_type3A_101, %cond3A_102 : i32
      scf.if %cond3A_103 {
        %add3A_105 = arith.constant 1 : i32
        %add3A_106 = arith.addi %scan3A_42, %add3A_105 : i32
        %jit3A_107 = arith.constant 8 : i32
        %div3A_108 = arith.divsi %add3A_106, %jit3A_107 : i32
        %sign3A_109 = arith.constant 0 : i32
        %sign3A_110 = arith.cmpi sgt, %add3A_106, %sign3A_109 : i32
        %sign3A_111 = arith.extui %sign3A_110 : i1 to i32
        %sign3A_112 = arith.constant 0 : i32
        %sign3A_113 = arith.cmpi slt, %add3A_106, %sign3A_112 : i32
        %sign3A_114 = arith.extui %sign3A_113 : i1 to i32
        %sign3A_115 = arith.subi %sign3A_111, %sign3A_114 : i32
        %sign3A_116 = arith.constant 0 : i32
        %sign3A_117 = arith.cmpi sgt, %jit3A_107, %sign3A_116 : i32
        %sign3A_118 = arith.extui %sign3A_117 : i1 to i32
        %sign3A_119 = arith.constant 0 : i32
        %sign3A_120 = arith.cmpi slt, %jit3A_107, %sign3A_119 : i32
        %sign3A_121 = arith.extui %sign3A_120 : i1 to i32
        %sign3A_122 = arith.subi %sign3A_118, %sign3A_121 : i32
        %ne3A_123 = arith.cmpi ne, %sign3A_115, %sign3A_122 : i32
        %rem3A_124 = arith.remsi %add3A_106, %jit3A_107 : i32
        %ne3A_125 = arith.constant 0 : i32
        %ne3A_126 = arith.cmpi ne, %rem3A_124, %ne3A_125 : i32
        %and3A_127 = arith.andi %ne3A_123, %ne3A_126 : i1
        %sub3A_128 = arith.constant 1 : i32
        %sub3A_129 = arith.subi %div3A_108, %sub3A_128 : i32
        %select_n3A_130 = arith.select %and3A_127, %sub3A_129, %div3A_108 : i32
        %add3A_131 = arith.constant 1 : i32
        %add3A_132 = arith.addi %scan3A_42, %add3A_131 : i32
        %jit3A_133 = arith.constant 8 : i32
        %eq3A_134 = arith.constant 0 : i32
        %eq3A_135 = arith.cmpi eq, %jit3A_133, %eq3A_134 : i32
        %jit3A_136 = arith.constant 1 : i32
        %select_n3A_137 = arith.select %eq3A_135, %jit3A_136, %jit3A_133 : i32
        %rem3A_138 = arith.remsi %add3A_132, %select_n3A_137 : i32
        %ne3A_139 = arith.constant 0 : i32
        %ne3A_140 = arith.cmpi ne, %rem3A_138, %ne3A_139 : i32
        %lt3A_141 = arith.constant 0 : i32
        %lt3A_142 = arith.cmpi slt, %rem3A_138, %lt3A_141 : i32
        %lt3A_143 = arith.constant 0 : i32
        %lt3A_144 = arith.cmpi slt, %select_n3A_137, %lt3A_143 : i32
        %ne3A_145 = arith.xori %lt3A_142, %lt3A_144 : i1
        %and3A_146 = arith.andi %ne3A_145, %ne3A_140 : i1
        %add3A_147 = arith.addi %rem3A_138, %select_n3A_137 : i32
        %select_n3A_148 = arith.select %and3A_146, %add3A_147, %rem3A_138 : i32
        %rem3A_149 = arith.constant 2 : i32
        %rem3A_150 = arith.remsi %select_n3A_130, %rem3A_149 : i32
        %eq3A_151 = arith.constant 0 : i32
        %eq3A_152 = arith.cmpi eq, %select_n3A_148, %eq3A_151 : i32
        %convert_element_type3A_153 = arith.extui %eq3A_152 : i1 to i32
        %cond3A_154 = arith.constant 0 : i32
        %cond3A_155 = arith.cmpi ne, %convert_element_type3A_153, %cond3A_154 : i32
        scf.if %cond3A_155 {
          %dma_wait3A_168 = arith.constant 0 : i32
          %dma_wait3A_169 = arith.constant 0 : i32
          %dma_wait3A_170 = arith.constant 0 : i32
          %dma_wait3A_171 = arith.constant 0 : i32
          %dma_wait3A_172 = tpu.memref_slice %arg7[%dma_wait3A_169, %dma_wait3A_170, %dma_wait3A_171] : memref<2x8x128xi32, #tpu.memory_space<vmem>> -> memref<1x8x128xi32, #tpu.memory_space<vmem>>
          %dma_wait3A_173 = tpu.memref_squeeze %dma_wait3A_172 : memref<1x8x128xi32, #tpu.memory_space<vmem>> -> memref<8x128xi32, #tpu.memory_space<vmem>>
          %dma_wait3A_174 = arith.constant 0 : i32
          %dma_wait3A_175 = arith.constant 0 : i32
          %dma_wait3A_176 = tpu.memref_slice %arg3[%add3A, %dma_wait3A_168, %dma_wait3A_174, %dma_wait3A_175] : memref<32x10x8x128xi32, #tpu.memory_space<hbm>> -> memref<1x1x8x128xi32, #tpu.memory_space<hbm>>
          %dma_wait3A_177 = tpu.memref_squeeze %dma_wait3A_176 : memref<1x1x8x128xi32, #tpu.memory_space<hbm>> -> memref<8x128xi32, #tpu.memory_space<hbm>>
          %dma_wait3A_178 = arith.constant 0 : i32
          %dma_wait3A_179 = arith.constant 0 : i32
          %dma_wait3A_180 = tpu.memref_slice %arg7[%dma_wait3A_169, %dma_wait3A_178, %dma_wait3A_179] : memref<2x8x128xi32, #tpu.memory_space<vmem>> -> memref<1x8x128xi32, #tpu.memory_space<vmem>>
          %dma_wait3A_181 = tpu.memref_squeeze %dma_wait3A_180 : memref<1x8x128xi32, #tpu.memory_space<vmem>> -> memref<8x128xi32, #tpu.memory_space<vmem>>
          %dma_wait3A_182 = arith.constant 0 : i32
          %dma_wait3A_183 = arith.constant 0 : i32
          %dma_wait3A_184 = tpu.memref_slice %arg3[%add3A, %dma_wait3A_168, %dma_wait3A_182, %dma_wait3A_183] : memref<32x10x8x128xi32, #tpu.memory_space<hbm>> -> memref<1x1x8x128xi32, #tpu.memory_space<hbm>>
          %dma_wait3A_185 = tpu.memref_squeeze %dma_wait3A_184 : memref<1x1x8x128xi32, #tpu.memory_space<hbm>> -> memref<8x128xi32, #tpu.memory_space<hbm>>
          tpu.wait_dma2 semaphore(%arg12 : memref<!tpu.dma_semaphore, #tpu.memory_space<semaphore_mem>>) src(%dma_wait3A_185 : memref<8x128xi32, #tpu.memory_space<hbm>>) dst(%dma_wait3A_181 : memref<8x128xi32, #tpu.memory_space<vmem>>)
          %dma_wait3A_186 = arith.constant 0 : i32
          %dma_wait3A_187 = arith.constant 0 : i32
          %dma_wait3A_188 = arith.constant 0 : i32
          %dma_wait3A_189 = arith.constant 0 : i32
          %dma_wait3A_190 = tpu.memref_slice %arg8[%dma_wait3A_187, %dma_wait3A_188, %dma_wait3A_189] : memref<2x8x128xi32, #tpu.memory_space<vmem>> -> memref<1x8x128xi32, #tpu.memory_space<vmem>>
          %dma_wait3A_191 = tpu.memref_squeeze %dma_wait3A_190 : memref<1x8x128xi32, #tpu.memory_space<vmem>> -> memref<8x128xi32, #tpu.memory_space<vmem>>
          %dma_wait3A_192 = arith.constant 0 : i32
          %dma_wait3A_193 = arith.constant 0 : i32
          %dma_wait3A_194 = tpu.memref_slice %arg4[%add3A, %dma_wait3A_186, %dma_wait3A_192, %dma_wait3A_193] : memref<32x10x8x128xi32, #tpu.memory_space<hbm>> -> memref<1x1x8x128xi32, #tpu.memory_space<hbm>>
          %dma_wait3A_195 = tpu.memref_squeeze %dma_wait3A_194 : memref<1x1x8x128xi32, #tpu.memory_space<hbm>> -> memref<8x128xi32, #tpu.memory_space<hbm>>
          %dma_wait3A_196 = arith.constant 0 : i32
          %dma_wait3A_197 = arith.constant 0 : i32
          %dma_wait3A_198 = tpu.memref_slice %arg8[%dma_wait3A_187, %dma_wait3A_196, %dma_wait3A_197] : memref<2x8x128xi32, #tpu.memory_space<vmem>> -> memref<1x8x128xi32, #tpu.memory_space<vmem>>
          %dma_wait3A_199 = tpu.memref_squeeze %dma_wait3A_198 : memref<1x8x128xi32, #tpu.memory_space<vmem>> -> memref<8x128xi32, #tpu.memory_space<vmem>>
          %dma_wait3A_200 = arith.constant 0 : i32
          %dma_wait3A_201 = arith.constant 0 : i32
          %dma_wait3A_202 = tpu.memref_slice %arg4[%add3A, %dma_wait3A_186, %dma_wait3A_200, %dma_wait3A_201] : memref<32x10x8x128xi32, #tpu.memory_space<hbm>> -> memref<1x1x8x128xi32, #tpu.memory_space<hbm>>
          %dma_wait3A_203 = tpu.memref_squeeze %dma_wait3A_202 : memref<1x1x8x128xi32, #tpu.memory_space<hbm>> -> memref<8x128xi32, #tpu.memory_space<hbm>>
          tpu.wait_dma2 semaphore(%arg12 : memref<!tpu.dma_semaphore, #tpu.memory_space<semaphore_mem>>) src(%dma_wait3A_203 : memref<8x128xi32, #tpu.memory_space<hbm>>) dst(%dma_wait3A_199 : memref<8x128xi32, #tpu.memory_space<vmem>>)
        } else {
        }
        %sub3A_156 = arith.constant 1 : i32
        %sub3A_157 = arith.subi %sub3A_156, %rem3A_77 : i32
        %dma_start3A_158 = arith.constant 0 : i32
        %dma_start3A_159 = arith.constant 0 : i32
        %dma_start3A_160 = tpu.memref_slice %arg9[%sub3A_157, %dma_start3A_158, %dma_start3A_159] : memref<2x128x128xf32, #tpu.memory_space<vmem>> -> memref<1x128x128xf32, #tpu.memory_space<vmem>>
        %dma_start3A_161 = tpu.memref_squeeze %dma_start3A_160 : memref<1x128x128xf32, #tpu.memory_space<vmem>> -> memref<128x128xf32, #tpu.memory_space<vmem>>
        %dma_start3A_162 = arith.constant 0 : i32
        %dma_start3A_163 = tpu.memref_slice %arg7[%rem3A_150, %select_n3A_148, %dma_start3A_162] : memref<2x8x128xi32, #tpu.memory_space<vmem>> -> memref<1x1x128xi32, #tpu.memory_space<vmem>>
        %dma_start3A_164 = tpu.memref_squeeze %dma_start3A_163 : memref<1x1x128xi32, #tpu.memory_space<vmem>> -> memref<128xi32, #tpu.memory_space<vmem>>
        %dma_start3A_165 = arith.constant 0 : i32
        %dma_start3A_166 = arith.constant 0 : i32
        %dma_start3A_167 = tpu.memref_slice %arg2[%dma_start3A_165, %dma_start3A_166] : memref<10240x128xf32, #tpu.memory_space<hbm>> -> memref<10240x128xf32, #tpu.memory_space<hbm>>
        tpu.enqueue_indirect_dma source(%dma_start3A_167 : memref<10240x128xf32, #tpu.memory_space<hbm>>) target(%dma_start3A_161 : memref<128x128xf32, #tpu.memory_space<vmem>>) offsets(%dma_start3A_164 : memref<128xi32, #tpu.memory_space<vmem>>) semaphore(%arg10 : memref<!tpu.dma_semaphore, #tpu.memory_space<semaphore_mem>>)
      } else {
      }
      %scan3A_104 = arith.constant 0 : i32
      scf.yield %scan3A_104 : i32
    }
    %scan3A_40 = arith.constant 80 : i32
    %barrier3A_41 = arith.constant 0 : index
    tpu.barrier barrier_id(%barrier3A_41)
    "tpu.region"() ({
      %run_scoped3A_42 = tpu.sem_alloc : memref<!tpu.dma_semaphore, #tpu.memory_space<semaphore_mem>>
      %dma_start3A_43 = arith.constant 0 : i32
      %dma_start3A_44 = tpu.memref_slice %arg5[%arg0, %mul3A_12, %dma_start3A_43] : memref<2x10240x128xf32, #tpu.memory_space<hbm>> -> memref<1x640x128xf32, #tpu.memory_space<hbm>>
      %dma_start3A_45 = tpu.memref_squeeze %dma_start3A_44 : memref<1x640x128xf32, #tpu.memory_space<hbm>> -> memref<640x128xf32, #tpu.memory_space<hbm>>
      %dma_start3A_46 = arith.constant 0 : i32
      %dma_start3A_47 = tpu.memref_slice %arg6[%mul3A_12, %dma_start3A_46] : memref<10240x128xf32, #tpu.memory_space<vmem_shared>> -> memref<640x128xf32, #tpu.memory_space<vmem_shared>>
      tpu.enqueue_dma source(%dma_start3A_47 : memref<640x128xf32, #tpu.memory_space<vmem_shared>>) target(%dma_start3A_45 : memref<640x128xf32, #tpu.memory_space<hbm>>) target_semaphore(%run_scoped3A_42 : memref<!tpu.dma_semaphore, #tpu.memory_space<semaphore_mem>>)
      %dma_wait3A = arith.constant 0 : i32
      %dma_wait3A_48 = tpu.memref_slice %arg5[%arg0, %mul3A_12, %dma_wait3A] : memref<2x10240x128xf32, #tpu.memory_space<hbm>> -> memref<1x640x128xf32, #tpu.memory_space<hbm>>
      %dma_wait3A_49 = tpu.memref_squeeze %dma_wait3A_48 : memref<1x640x128xf32, #tpu.memory_space<hbm>> -> memref<640x128xf32, #tpu.memory_space<hbm>>
      %dma_wait3A_50 = arith.constant 0 : i32
      %dma_wait3A_51 = tpu.memref_slice %arg6[%mul3A_12, %dma_wait3A_50] : memref<10240x128xf32, #tpu.memory_space<vmem_shared>> -> memref<640x128xf32, #tpu.memory_space<vmem_shared>>
      tpu.wait_dma2 semaphore(%run_scoped3A_42 : memref<!tpu.dma_semaphore, #tpu.memory_space<semaphore_mem>>) src(%dma_wait3A_51 : memref<640x128xf32, #tpu.memory_space<vmem_shared>>) dst(%dma_wait3A_49 : memref<640x128xf32, #tpu.memory_space<hbm>>)
      tpu.yield
    }) : () -> ()
    return
  }
}

#map = affine_map<(d0, d1) -> (0, 0)>
#map1 = affine_map<(d0, d1) -> (0, 0, 0, 0)>
#map2 = affine_map<(d0, d1) -> (0, 0, 0)>
module attributes {stable_mosaic.version = 14 : i64} {
  func.func @body(%arg0: i32, %arg1: i32, %arg2: memref<10240x128xf32, #tpu.memory_space<hbm>>, %arg3: memref<32x10x8x128xi32, #tpu.memory_space<hbm>>, %arg4: memref<32x10x8x128xi32, #tpu.memory_space<hbm>>, %arg5: memref<2x10240x128xf32, #tpu.memory_space<hbm>>, %arg6: memref<32x10240xf32, #tpu.memory_space<hbm>>, %arg7: memref<10240x128xf32, #tpu.memory_space<vmem_shared>>, %arg8: memref<2x8x128xi32, #tpu.memory_space<vmem>>, %arg9: memref<2x8x128xi32, #tpu.memory_space<vmem>>, %arg10: memref<2x128x128xf32, #tpu.memory_space<vmem>>, %arg11: memref<!tpu.dma_semaphore, #tpu.memory_space<semaphore_mem>>, %arg12: memref<!tpu.dma_semaphore, #tpu.memory_space<semaphore_mem>>, %arg13: memref<!tpu.dma_semaphore, #tpu.memory_space<semaphore_mem>>, %arg14: memref<10240xf32, #tpu.memory_space<vmem>>) attributes {dimension_semantics = [#tpu.dimension_semantics<core_parallel>, #tpu.dimension_semantics<subcore_parallel>], iteration_bounds = array<i64: 2, 16>, scalar_prefetch = 0 : i64, scratch_operands = 8 : i64, tpu.core_type = #tpu.core_type<sc_vector_subcore>, window_params = [{transform_indices = #map}, {transform_indices = #map1}, {transform_indices = #map1}, {transform_indices = #map2}, {transform_indices = #map}]} {
    %mul3A = arith.constant 16 : i32
    %mul3A_0 = arith.muli %arg0, %mul3A : i32
    %add3A = arith.addi %mul3A_0, %arg1 : i32
    %run_scoped3A = arith.constant 0 : i32
    %run_scoped3A_1 = arith.constant 0 : i32
    "tpu.region"() ({
      %run_scoped3A_49 = tpu.sem_alloc : memref<!tpu.dma_semaphore, #tpu.memory_space<semaphore_mem>>
      %dma_start3A_50 = arith.constant 0 : i32
      %dma_start3A_51 = arith.constant 0 : i32
      %dma_start3A_52 = tpu.memref_slice %arg8[%run_scoped3A_1, %dma_start3A_50, %dma_start3A_51] : memref<2x8x128xi32, #tpu.memory_space<vmem>> -> memref<1x8x128xi32, #tpu.memory_space<vmem>>
      %dma_start3A_53 = tpu.memref_squeeze %dma_start3A_52 : memref<1x8x128xi32, #tpu.memory_space<vmem>> -> memref<8x128xi32, #tpu.memory_space<vmem>>
      %dma_start3A_54 = arith.constant 0 : i32
      %dma_start3A_55 = arith.constant 0 : i32
      %dma_start3A_56 = tpu.memref_slice %arg3[%add3A, %run_scoped3A, %dma_start3A_54, %dma_start3A_55] : memref<32x10x8x128xi32, #tpu.memory_space<hbm>> -> memref<1x1x8x128xi32, #tpu.memory_space<hbm>>
      %dma_start3A_57 = tpu.memref_squeeze %dma_start3A_56 : memref<1x1x8x128xi32, #tpu.memory_space<hbm>> -> memref<8x128xi32, #tpu.memory_space<hbm>>
      %dma_start3A_58 = arith.constant 0 : i32
      %dma_start3A_59 = arith.constant 0 : i32
      %dma_start3A_60 = tpu.memref_slice %arg8[%run_scoped3A_1, %dma_start3A_58, %dma_start3A_59] : memref<2x8x128xi32, #tpu.memory_space<vmem>> -> memref<1x8x128xi32, #tpu.memory_space<vmem>>
      %dma_start3A_61 = tpu.memref_squeeze %dma_start3A_60 : memref<1x8x128xi32, #tpu.memory_space<vmem>> -> memref<8x128xi32, #tpu.memory_space<vmem>>
      %dma_start3A_62 = arith.constant 0 : i32
      %dma_start3A_63 = arith.constant 0 : i32
      %dma_start3A_64 = tpu.memref_slice %arg3[%add3A, %run_scoped3A, %dma_start3A_62, %dma_start3A_63] : memref<32x10x8x128xi32, #tpu.memory_space<hbm>> -> memref<1x1x8x128xi32, #tpu.memory_space<hbm>>
      %dma_start3A_65 = tpu.memref_squeeze %dma_start3A_64 : memref<1x1x8x128xi32, #tpu.memory_space<hbm>> -> memref<8x128xi32, #tpu.memory_space<hbm>>
      tpu.enqueue_dma source(%dma_start3A_65 : memref<8x128xi32, #tpu.memory_space<hbm>>) target(%dma_start3A_61 : memref<8x128xi32, #tpu.memory_space<vmem>>) target_semaphore(%run_scoped3A_49 : memref<!tpu.dma_semaphore, #tpu.memory_space<semaphore_mem>>)
      %dma_wait3A = arith.constant 0 : i32
      %dma_wait3A_66 = arith.constant 0 : i32
      %dma_wait3A_67 = tpu.memref_slice %arg8[%run_scoped3A_1, %dma_wait3A, %dma_wait3A_66] : memref<2x8x128xi32, #tpu.memory_space<vmem>> -> memref<1x8x128xi32, #tpu.memory_space<vmem>>
      %dma_wait3A_68 = tpu.memref_squeeze %dma_wait3A_67 : memref<1x8x128xi32, #tpu.memory_space<vmem>> -> memref<8x128xi32, #tpu.memory_space<vmem>>
      %dma_wait3A_69 = arith.constant 0 : i32
      %dma_wait3A_70 = arith.constant 0 : i32
      %dma_wait3A_71 = tpu.memref_slice %arg3[%add3A, %run_scoped3A, %dma_wait3A_69, %dma_wait3A_70] : memref<32x10x8x128xi32, #tpu.memory_space<hbm>> -> memref<1x1x8x128xi32, #tpu.memory_space<hbm>>
      %dma_wait3A_72 = tpu.memref_squeeze %dma_wait3A_71 : memref<1x1x8x128xi32, #tpu.memory_space<hbm>> -> memref<8x128xi32, #tpu.memory_space<hbm>>
      %dma_wait3A_73 = arith.constant 0 : i32
      %dma_wait3A_74 = arith.constant 0 : i32
      %dma_wait3A_75 = tpu.memref_slice %arg8[%run_scoped3A_1, %dma_wait3A_73, %dma_wait3A_74] : memref<2x8x128xi32, #tpu.memory_space<vmem>> -> memref<1x8x128xi32, #tpu.memory_space<vmem>>
      %dma_wait3A_76 = tpu.memref_squeeze %dma_wait3A_75 : memref<1x8x128xi32, #tpu.memory_space<vmem>> -> memref<8x128xi32, #tpu.memory_space<vmem>>
      %dma_wait3A_77 = arith.constant 0 : i32
      %dma_wait3A_78 = arith.constant 0 : i32
      %dma_wait3A_79 = tpu.memref_slice %arg3[%add3A, %run_scoped3A, %dma_wait3A_77, %dma_wait3A_78] : memref<32x10x8x128xi32, #tpu.memory_space<hbm>> -> memref<1x1x8x128xi32, #tpu.memory_space<hbm>>
      %dma_wait3A_80 = tpu.memref_squeeze %dma_wait3A_79 : memref<1x1x8x128xi32, #tpu.memory_space<hbm>> -> memref<8x128xi32, #tpu.memory_space<hbm>>
      tpu.wait_dma2 semaphore(%run_scoped3A_49 : memref<!tpu.dma_semaphore, #tpu.memory_space<semaphore_mem>>) src(%dma_wait3A_80 : memref<8x128xi32, #tpu.memory_space<hbm>>) dst(%dma_wait3A_76 : memref<8x128xi32, #tpu.memory_space<vmem>>)
      tpu.yield
    }) : () -> ()
    %run_scoped3A_2 = arith.constant 0 : i32
    %run_scoped3A_3 = arith.constant 0 : i32
    "tpu.region"() ({
      %run_scoped3A_49 = tpu.sem_alloc : memref<!tpu.dma_semaphore, #tpu.memory_space<semaphore_mem>>
      %dma_start3A_50 = arith.constant 0 : i32
      %dma_start3A_51 = arith.constant 0 : i32
      %dma_start3A_52 = tpu.memref_slice %arg9[%run_scoped3A_3, %dma_start3A_50, %dma_start3A_51] : memref<2x8x128xi32, #tpu.memory_space<vmem>> -> memref<1x8x128xi32, #tpu.memory_space<vmem>>
      %dma_start3A_53 = tpu.memref_squeeze %dma_start3A_52 : memref<1x8x128xi32, #tpu.memory_space<vmem>> -> memref<8x128xi32, #tpu.memory_space<vmem>>
      %dma_start3A_54 = arith.constant 0 : i32
      %dma_start3A_55 = arith.constant 0 : i32
      %dma_start3A_56 = tpu.memref_slice %arg4[%add3A, %run_scoped3A_2, %dma_start3A_54, %dma_start3A_55] : memref<32x10x8x128xi32, #tpu.memory_space<hbm>> -> memref<1x1x8x128xi32, #tpu.memory_space<hbm>>
      %dma_start3A_57 = tpu.memref_squeeze %dma_start3A_56 : memref<1x1x8x128xi32, #tpu.memory_space<hbm>> -> memref<8x128xi32, #tpu.memory_space<hbm>>
      %dma_start3A_58 = arith.constant 0 : i32
      %dma_start3A_59 = arith.constant 0 : i32
      %dma_start3A_60 = tpu.memref_slice %arg9[%run_scoped3A_3, %dma_start3A_58, %dma_start3A_59] : memref<2x8x128xi32, #tpu.memory_space<vmem>> -> memref<1x8x128xi32, #tpu.memory_space<vmem>>
      %dma_start3A_61 = tpu.memref_squeeze %dma_start3A_60 : memref<1x8x128xi32, #tpu.memory_space<vmem>> -> memref<8x128xi32, #tpu.memory_space<vmem>>
      %dma_start3A_62 = arith.constant 0 : i32
      %dma_start3A_63 = arith.constant 0 : i32
      %dma_start3A_64 = tpu.memref_slice %arg4[%add3A, %run_scoped3A_2, %dma_start3A_62, %dma_start3A_63] : memref<32x10x8x128xi32, #tpu.memory_space<hbm>> -> memref<1x1x8x128xi32, #tpu.memory_space<hbm>>
      %dma_start3A_65 = tpu.memref_squeeze %dma_start3A_64 : memref<1x1x8x128xi32, #tpu.memory_space<hbm>> -> memref<8x128xi32, #tpu.memory_space<hbm>>
      tpu.enqueue_dma source(%dma_start3A_65 : memref<8x128xi32, #tpu.memory_space<hbm>>) target(%dma_start3A_61 : memref<8x128xi32, #tpu.memory_space<vmem>>) target_semaphore(%run_scoped3A_49 : memref<!tpu.dma_semaphore, #tpu.memory_space<semaphore_mem>>)
      %dma_wait3A = arith.constant 0 : i32
      %dma_wait3A_66 = arith.constant 0 : i32
      %dma_wait3A_67 = tpu.memref_slice %arg9[%run_scoped3A_3, %dma_wait3A, %dma_wait3A_66] : memref<2x8x128xi32, #tpu.memory_space<vmem>> -> memref<1x8x128xi32, #tpu.memory_space<vmem>>
      %dma_wait3A_68 = tpu.memref_squeeze %dma_wait3A_67 : memref<1x8x128xi32, #tpu.memory_space<vmem>> -> memref<8x128xi32, #tpu.memory_space<vmem>>
      %dma_wait3A_69 = arith.constant 0 : i32
      %dma_wait3A_70 = arith.constant 0 : i32
      %dma_wait3A_71 = tpu.memref_slice %arg4[%add3A, %run_scoped3A_2, %dma_wait3A_69, %dma_wait3A_70] : memref<32x10x8x128xi32, #tpu.memory_space<hbm>> -> memref<1x1x8x128xi32, #tpu.memory_space<hbm>>
      %dma_wait3A_72 = tpu.memref_squeeze %dma_wait3A_71 : memref<1x1x8x128xi32, #tpu.memory_space<hbm>> -> memref<8x128xi32, #tpu.memory_space<hbm>>
      %dma_wait3A_73 = arith.constant 0 : i32
      %dma_wait3A_74 = arith.constant 0 : i32
      %dma_wait3A_75 = tpu.memref_slice %arg9[%run_scoped3A_3, %dma_wait3A_73, %dma_wait3A_74] : memref<2x8x128xi32, #tpu.memory_space<vmem>> -> memref<1x8x128xi32, #tpu.memory_space<vmem>>
      %dma_wait3A_76 = tpu.memref_squeeze %dma_wait3A_75 : memref<1x8x128xi32, #tpu.memory_space<vmem>> -> memref<8x128xi32, #tpu.memory_space<vmem>>
      %dma_wait3A_77 = arith.constant 0 : i32
      %dma_wait3A_78 = arith.constant 0 : i32
      %dma_wait3A_79 = tpu.memref_slice %arg4[%add3A, %run_scoped3A_2, %dma_wait3A_77, %dma_wait3A_78] : memref<32x10x8x128xi32, #tpu.memory_space<hbm>> -> memref<1x1x8x128xi32, #tpu.memory_space<hbm>>
      %dma_wait3A_80 = tpu.memref_squeeze %dma_wait3A_79 : memref<1x1x8x128xi32, #tpu.memory_space<hbm>> -> memref<8x128xi32, #tpu.memory_space<hbm>>
      tpu.wait_dma2 semaphore(%run_scoped3A_49 : memref<!tpu.dma_semaphore, #tpu.memory_space<semaphore_mem>>) src(%dma_wait3A_80 : memref<8x128xi32, #tpu.memory_space<hbm>>) dst(%dma_wait3A_76 : memref<8x128xi32, #tpu.memory_space<vmem>>)
      tpu.yield
    }) : () -> ()
    %broadcast_in_dim3A = arith.constant 0.000000e+00 : f32
    %broadcast_in_dim3A_4 = vector.broadcast %broadcast_in_dim3A : f32 to vector<16xf32>
    %scan3A = arith.constant 0 : i32
    %scan3A_5 = arith.constant 0 : i32
    %scan3A_6 = arith.constant 256 : i32
    %scan3A_7 = arith.addi %scan3A_5, %scan3A_6 : i32
    %scan3A_8 = arith.constant 1 : i32
    %scan3A_9 = scf.for %scan3A_49 = %scan3A_5 to %scan3A_7 step %scan3A_8 iter_args(%scan3A_50 = %scan3A) -> (i32)  : i32 {
      %jit3A = arith.constant 8 : i32
      %div3A = arith.divsi %scan3A_49, %jit3A : i32
      %sign3A = arith.constant 0 : i32
      %sign3A_51 = arith.cmpi sgt, %scan3A_49, %sign3A : i32
      %sign3A_52 = arith.extui %sign3A_51 : i1 to i32
      %sign3A_53 = arith.constant 0 : i32
      %sign3A_54 = arith.cmpi slt, %scan3A_49, %sign3A_53 : i32
      %sign3A_55 = arith.extui %sign3A_54 : i1 to i32
      %sign3A_56 = arith.subi %sign3A_52, %sign3A_55 : i32
      %sign3A_57 = arith.constant 0 : i32
      %sign3A_58 = arith.cmpi sgt, %jit3A, %sign3A_57 : i32
      %sign3A_59 = arith.extui %sign3A_58 : i1 to i32
      %sign3A_60 = arith.constant 0 : i32
      %sign3A_61 = arith.cmpi slt, %jit3A, %sign3A_60 : i32
      %sign3A_62 = arith.extui %sign3A_61 : i1 to i32
      %sign3A_63 = arith.subi %sign3A_59, %sign3A_62 : i32
      %ne3A = arith.cmpi ne, %sign3A_56, %sign3A_63 : i32
      %rem3A = arith.remsi %scan3A_49, %jit3A : i32
      %ne3A_64 = arith.constant 0 : i32
      %ne3A_65 = arith.cmpi ne, %rem3A, %ne3A_64 : i32
      %and3A = arith.andi %ne3A, %ne3A_65 : i1
      %sub3A = arith.constant 1 : i32
      %sub3A_66 = arith.subi %div3A, %sub3A : i32
      %select_n3A = arith.select %and3A, %sub3A_66, %div3A : i32
      %jit3A_67 = arith.constant 8 : i32
      %eq3A = arith.constant 0 : i32
      %eq3A_68 = arith.cmpi eq, %jit3A_67, %eq3A : i32
      %jit3A_69 = arith.constant 1 : i32
      %select_n3A_70 = arith.select %eq3A_68, %jit3A_69, %jit3A_67 : i32
      %rem3A_71 = arith.remsi %scan3A_49, %select_n3A_70 : i32
      %ne3A_72 = arith.constant 0 : i32
      %ne3A_73 = arith.cmpi ne, %rem3A_71, %ne3A_72 : i32
      %lt3A = arith.constant 0 : i32
      %lt3A_74 = arith.cmpi slt, %rem3A_71, %lt3A : i32
      %lt3A_75 = arith.constant 0 : i32
      %lt3A_76 = arith.cmpi slt, %select_n3A_70, %lt3A_75 : i32
      %ne3A_77 = arith.xori %lt3A_74, %lt3A_76 : i1
      %and3A_78 = arith.andi %ne3A_77, %ne3A_73 : i1
      %add3A_79 = arith.addi %rem3A_71, %select_n3A_70 : i32
      %select_n3A_80 = arith.select %and3A_78, %add3A_79, %rem3A_71 : i32
      %mul3A_81 = arith.constant 16 : i32
      %mul3A_82 = arith.muli %select_n3A_80, %mul3A_81 : i32
      %swap3A = arith.constant 0 : i32
      %swap3A_83 = arith.index_cast %swap3A : i32 to index
      %swap3A_84 = arith.index_cast %select_n3A : i32 to index
      %swap3A_85 = arith.index_cast %mul3A_82 : i32 to index
      %swap3A_86 = tpu.vector_load %arg10[%swap3A_83, %swap3A_84, %swap3A_85] {strides = array<i32>} : memref<2x128x128xf32, #tpu.memory_space<vmem>>, vector<16xf32>,
      tpu.vector_store %arg10[%swap3A_83, %swap3A_84, %swap3A_85], %broadcast_in_dim3A_4 {strides = array<i32>} : memref<2x128x128xf32, #tpu.memory_space<vmem>>, vector<16xf32>,
      %scan3A_87 = arith.constant 0 : i32
      scf.yield %scan3A_87 : i32
    }
    %scan3A_10 = arith.constant 256 : i32
    %mul3A_11 = arith.constant 640 : i32
    %mul3A_12 = arith.muli %arg1, %mul3A_11 : i32
    %scan3A_13 = arith.constant 0 : i32
    %scan3A_14 = arith.constant 0 : i32
    %scan3A_15 = arith.constant 20 : i32
    %scan3A_16 = arith.addi %scan3A_14, %scan3A_15 : i32
    %scan3A_17 = arith.constant 1 : i32
    %scan3A_18 = scf.for %scan3A_49 = %scan3A_14 to %scan3A_16 step %scan3A_17 iter_args(%scan3A_50 = %scan3A_13) -> (i32)  : i32 {
      %mul3A_51 = arith.constant 32 : i32
      %mul3A_52 = arith.muli %scan3A_49, %mul3A_51 : i32
      %add3A_53 = arith.addi %mul3A_12, %mul3A_52 : i32
      %run_scoped3A_54 = arith.constant 0 : i32
      "tpu.region"() ({
        %run_scoped3A_56 = tpu.sem_alloc : memref<!tpu.dma_semaphore, #tpu.memory_space<semaphore_mem>>
        %dma_start3A_57 = arith.constant 0 : i32
        %dma_start3A_58 = arith.constant 0 : i32
        %dma_start3A_59 = tpu.memref_slice %arg10[%run_scoped3A_54, %dma_start3A_57, %dma_start3A_58] : memref<2x128x128xf32, #tpu.memory_space<vmem>> -> memref<1x32x128xf32, #tpu.memory_space<vmem>>
        %dma_start3A_60 = tpu.memref_squeeze %dma_start3A_59 : memref<1x32x128xf32, #tpu.memory_space<vmem>> -> memref<32x128xf32, #tpu.memory_space<vmem>>
        %dma_start3A_61 = arith.constant 0 : i32
        %dma_start3A_62 = tpu.memref_slice %arg7[%add3A_53, %dma_start3A_61] : memref<10240x128xf32, #tpu.memory_space<vmem_shared>> -> memref<32x128xf32, #tpu.memory_space<vmem_shared>>
        %dma_start3A_63 = arith.constant 0 : i32
        %dma_start3A_64 = tpu.memref_slice %arg7[%add3A_53, %dma_start3A_63] : memref<10240x128xf32, #tpu.memory_space<vmem_shared>> -> memref<32x128xf32, #tpu.memory_space<vmem_shared>>
        %dma_start3A_65 = arith.constant 0 : i32
        %dma_start3A_66 = arith.constant 0 : i32
        %dma_start3A_67 = tpu.memref_slice %arg10[%run_scoped3A_54, %dma_start3A_65, %dma_start3A_66] : memref<2x128x128xf32, #tpu.memory_space<vmem>> -> memref<1x32x128xf32, #tpu.memory_space<vmem>>
        %dma_start3A_68 = tpu.memref_squeeze %dma_start3A_67 : memref<1x32x128xf32, #tpu.memory_space<vmem>> -> memref<32x128xf32, #tpu.memory_space<vmem>>
        tpu.enqueue_dma source(%dma_start3A_68 : memref<32x128xf32, #tpu.memory_space<vmem>>) target(%dma_start3A_64 : memref<32x128xf32, #tpu.memory_space<vmem_shared>>) target_semaphore(%run_scoped3A_56 : memref<!tpu.dma_semaphore, #tpu.memory_space<semaphore_mem>>)
        %dma_wait3A = arith.constant 0 : i32
        %dma_wait3A_69 = arith.constant 0 : i32
        %dma_wait3A_70 = tpu.memref_slice %arg10[%run_scoped3A_54, %dma_wait3A, %dma_wait3A_69] : memref<2x128x128xf32, #tpu.memory_space<vmem>> -> memref<1x32x128xf32, #tpu.memory_space<vmem>>
        %dma_wait3A_71 = tpu.memref_squeeze %dma_wait3A_70 : memref<1x32x128xf32, #tpu.memory_space<vmem>> -> memref<32x128xf32, #tpu.memory_space<vmem>>
        %dma_wait3A_72 = arith.constant 0 : i32
        %dma_wait3A_73 = tpu.memref_slice %arg7[%add3A_53, %dma_wait3A_72] : memref<10240x128xf32, #tpu.memory_space<vmem_shared>> -> memref<32x128xf32, #tpu.memory_space<vmem_shared>>
        %dma_wait3A_74 = arith.constant 0 : i32
        %dma_wait3A_75 = tpu.memref_slice %arg7[%add3A_53, %dma_wait3A_74] : memref<10240x128xf32, #tpu.memory_space<vmem_shared>> -> memref<32x128xf32, #tpu.memory_space<vmem_shared>>
        %dma_wait3A_76 = arith.constant 0 : i32
        %dma_wait3A_77 = arith.constant 0 : i32
        %dma_wait3A_78 = tpu.memref_slice %arg10[%run_scoped3A_54, %dma_wait3A_76, %dma_wait3A_77] : memref<2x128x128xf32, #tpu.memory_space<vmem>> -> memref<1x32x128xf32, #tpu.memory_space<vmem>>
        %dma_wait3A_79 = tpu.memref_squeeze %dma_wait3A_78 : memref<1x32x128xf32, #tpu.memory_space<vmem>> -> memref<32x128xf32, #tpu.memory_space<vmem>>
        tpu.wait_dma2 semaphore(%run_scoped3A_56 : memref<!tpu.dma_semaphore, #tpu.memory_space<semaphore_mem>>) src(%dma_wait3A_79 : memref<32x128xf32, #tpu.memory_space<vmem>>) dst(%dma_wait3A_75 : memref<32x128xf32, #tpu.memory_space<vmem_shared>>)
        tpu.yield
      }) : () -> ()
      %scan3A_55 = arith.constant 0 : i32
      scf.yield %scan3A_55 : i32
    }
    %scan3A_19 = arith.constant 20 : i32
    %scan3A_20 = arith.constant 0 : i32
    %scan3A_21 = arith.constant 0 : i32
    %scan3A_22 = arith.constant 640 : i32
    %scan3A_23 = arith.addi %scan3A_21, %scan3A_22 : i32
    %scan3A_24 = arith.constant 1 : i32
    %scan3A_25 = scf.for %scan3A_49 = %scan3A_21 to %scan3A_23 step %scan3A_24 iter_args(%scan3A_50 = %scan3A_20) -> (i32)  : i32 {
      %mul3A_51 = arith.constant 16 : i32
      %mul3A_52 = arith.muli %scan3A_49, %mul3A_51 : i32
      %swap3A = arith.index_cast %mul3A_52 : i32 to index
      %swap3A_53 = tpu.vector_load %arg14[%swap3A] {strides = array<i32>} : memref<10240xf32, #tpu.memory_space<vmem>>, vector<16xf32>,
      tpu.vector_store %arg14[%swap3A], %broadcast_in_dim3A_4 {strides = array<i32>} : memref<10240xf32, #tpu.memory_space<vmem>>, vector<16xf32>,
      %scan3A_54 = arith.constant 0 : i32
      scf.yield %scan3A_54 : i32
    }
    %scan3A_26 = arith.constant 640 : i32
    %barrier3A = arith.constant 0 : index
    tpu.barrier barrier_id(%barrier3A)
    %broadcast_in_dim3A_27 = arith.constant 1.000000e+00 : f32
    %broadcast_in_dim3A_28 = vector.broadcast %broadcast_in_dim3A_27 : f32 to vector<16xf32>
    %dma_start3A = arith.constant 0 : i32
    %dma_start3A_29 = arith.constant 0 : i32
    %dma_start3A_30 = arith.constant 0 : i32
    %dma_start3A_31 = arith.constant 0 : i32
    %dma_start3A_32 = arith.constant 0 : i32
    %dma_start3A_33 = tpu.memref_slice %arg10[%dma_start3A_30, %dma_start3A_31, %dma_start3A_32] : memref<2x128x128xf32, #tpu.memory_space<vmem>> -> memref<1x128x128xf32, #tpu.memory_space<vmem>>
    %dma_start3A_34 = tpu.memref_squeeze %dma_start3A_33 : memref<1x128x128xf32, #tpu.memory_space<vmem>> -> memref<128x128xf32, #tpu.memory_space<vmem>>
    %dma_start3A_35 = arith.constant 0 : i32
    %dma_start3A_36 = tpu.memref_slice %arg8[%dma_start3A, %dma_start3A_29, %dma_start3A_35] : memref<2x8x128xi32, #tpu.memory_space<vmem>> -> memref<1x1x128xi32, #tpu.memory_space<vmem>>
    %dma_start3A_37 = tpu.memref_squeeze %dma_start3A_36 : memref<1x1x128xi32, #tpu.memory_space<vmem>> -> memref<128xi32, #tpu.memory_space<vmem>>
    %dma_start3A_38 = arith.constant 0 : i32
    %dma_start3A_39 = arith.constant 0 : i32
    %dma_start3A_40 = tpu.memref_slice %arg2[%dma_start3A_38, %dma_start3A_39] : memref<10240x128xf32, #tpu.memory_space<hbm>> -> memref<10240x128xf32, #tpu.memory_space<hbm>>
    tpu.enqueue_indirect_dma source(%dma_start3A_40 : memref<10240x128xf32, #tpu.memory_space<hbm>>) target(%dma_start3A_34 : memref<128x128xf32, #tpu.memory_space<vmem>>) offsets(%dma_start3A_37 : memref<128xi32, #tpu.memory_space<vmem>>) semaphore(%arg11 : memref<!tpu.dma_semaphore, #tpu.memory_space<semaphore_mem>>)
    %scan3A_41 = arith.constant 0 : i32
    %scan3A_42 = arith.constant 0 : i32
    %scan3A_43 = arith.constant 80 : i32
    %scan3A_44 = arith.addi %scan3A_42, %scan3A_43 : i32
    %scan3A_45 = arith.constant 1 : i32
    %scan3A_46 = scf.for %scan3A_49 = %scan3A_42 to %scan3A_44 step %scan3A_45 iter_args(%scan3A_50 = %scan3A_41) -> (i32)  : i32 {
      %jit3A = arith.constant 8 : i32
      %div3A = arith.divsi %scan3A_49, %jit3A : i32
      %sign3A = arith.constant 0 : i32
      %sign3A_51 = arith.cmpi sgt, %scan3A_49, %sign3A : i32
      %sign3A_52 = arith.extui %sign3A_51 : i1 to i32
      %sign3A_53 = arith.constant 0 : i32
      %sign3A_54 = arith.cmpi slt, %scan3A_49, %sign3A_53 : i32
      %sign3A_55 = arith.extui %sign3A_54 : i1 to i32
      %sign3A_56 = arith.subi %sign3A_52, %sign3A_55 : i32
      %sign3A_57 = arith.constant 0 : i32
      %sign3A_58 = arith.cmpi sgt, %jit3A, %sign3A_57 : i32
      %sign3A_59 = arith.extui %sign3A_58 : i1 to i32
      %sign3A_60 = arith.constant 0 : i32
      %sign3A_61 = arith.cmpi slt, %jit3A, %sign3A_60 : i32
      %sign3A_62 = arith.extui %sign3A_61 : i1 to i32
      %sign3A_63 = arith.subi %sign3A_59, %sign3A_62 : i32
      %ne3A = arith.cmpi ne, %sign3A_56, %sign3A_63 : i32
      %rem3A = arith.remsi %scan3A_49, %jit3A : i32
      %ne3A_64 = arith.constant 0 : i32
      %ne3A_65 = arith.cmpi ne, %rem3A, %ne3A_64 : i32
      %and3A = arith.andi %ne3A, %ne3A_65 : i1
      %sub3A = arith.constant 1 : i32
      %sub3A_66 = arith.subi %div3A, %sub3A : i32
      %select_n3A = arith.select %and3A, %sub3A_66, %div3A : i32
      %jit3A_67 = arith.constant 8 : i32
      %eq3A = arith.constant 0 : i32
      %eq3A_68 = arith.cmpi eq, %jit3A_67, %eq3A : i32
      %jit3A_69 = arith.constant 1 : i32
      %select_n3A_70 = arith.select %eq3A_68, %jit3A_69, %jit3A_67 : i32
      %rem3A_71 = arith.remsi %scan3A_49, %select_n3A_70 : i32
      %ne3A_72 = arith.constant 0 : i32
      %ne3A_73 = arith.cmpi ne, %rem3A_71, %ne3A_72 : i32
      %lt3A = arith.constant 0 : i32
      %lt3A_74 = arith.cmpi slt, %rem3A_71, %lt3A : i32
      %lt3A_75 = arith.constant 0 : i32
      %lt3A_76 = arith.cmpi slt, %select_n3A_70, %lt3A_75 : i32
      %ne3A_77 = arith.xori %lt3A_74, %lt3A_76 : i1
      %and3A_78 = arith.andi %ne3A_77, %ne3A_73 : i1
      %add3A_79 = arith.addi %rem3A_71, %select_n3A_70 : i32
      %select_n3A_80 = arith.select %and3A_78, %add3A_79, %rem3A_71 : i32
      %rem3A_81 = arith.constant 2 : i32
      %rem3A_82 = arith.remsi %select_n3A, %rem3A_81 : i32
      %rem3A_83 = arith.constant 2 : i32
      %rem3A_84 = arith.remsi %scan3A_49, %rem3A_83 : i32
      %eq3A_85 = arith.constant 0 : i32
      %eq3A_86 = arith.cmpi eq, %select_n3A_80, %eq3A_85 : i32
      %add3A_87 = arith.constant 1 : i32
      %add3A_88 = arith.addi %select_n3A, %add3A_87 : i32
      %lt3A_89 = arith.constant 10 : i32
      %lt3A_90 = arith.cmpi slt, %add3A_88, %lt3A_89 : i32
      %and3A_91 = arith.andi %eq3A_86, %lt3A_90 : i1
      %convert_element_type3A = arith.extui %and3A_91 : i1 to i32
      %cond3A = arith.constant 0 : i32
      %cond3A_92 = arith.cmpi ne, %convert_element_type3A, %cond3A : i32
      scf.if %cond3A_92 {
        %add3A_119 = arith.constant 1 : i32
        %add3A_120 = arith.addi %select_n3A, %add3A_119 : i32
        %rem3A_121 = arith.constant 2 : i32
        %rem3A_122 = arith.remsi %add3A_120, %rem3A_121 : i32
        %add3A_123 = arith.constant 1 : i32
        %add3A_124 = arith.addi %select_n3A, %add3A_123 : i32
        %dma_start3A_125 = arith.constant 0 : i32
        %dma_start3A_126 = arith.constant 0 : i32
        %dma_start3A_127 = tpu.memref_slice %arg8[%rem3A_122, %dma_start3A_125, %dma_start3A_126] : memref<2x8x128xi32, #tpu.memory_space<vmem>> -> memref<1x8x128xi32, #tpu.memory_space<vmem>>
        %dma_start3A_128 = tpu.memref_squeeze %dma_start3A_127 : memref<1x8x128xi32, #tpu.memory_space<vmem>> -> memref<8x128xi32, #tpu.memory_space<vmem>>
        %dma_start3A_129 = arith.constant 0 : i32
        %dma_start3A_130 = arith.constant 0 : i32
        %dma_start3A_131 = tpu.memref_slice %arg3[%add3A, %add3A_124, %dma_start3A_129, %dma_start3A_130] : memref<32x10x8x128xi32, #tpu.memory_space<hbm>> -> memref<1x1x8x128xi32, #tpu.memory_space<hbm>>
        %dma_start3A_132 = tpu.memref_squeeze %dma_start3A_131 : memref<1x1x8x128xi32, #tpu.memory_space<hbm>> -> memref<8x128xi32, #tpu.memory_space<hbm>>
        %dma_start3A_133 = arith.constant 0 : i32
        %dma_start3A_134 = arith.constant 0 : i32
        %dma_start3A_135 = tpu.memref_slice %arg8[%rem3A_122, %dma_start3A_133, %dma_start3A_134] : memref<2x8x128xi32, #tpu.memory_space<vmem>> -> memref<1x8x128xi32, #tpu.memory_space<vmem>>
        %dma_start3A_136 = tpu.memref_squeeze %dma_start3A_135 : memref<1x8x128xi32, #tpu.memory_space<vmem>> -> memref<8x128xi32, #tpu.memory_space<vmem>>
        %dma_start3A_137 = arith.constant 0 : i32
        %dma_start3A_138 = arith.constant 0 : i32
        %dma_start3A_139 = tpu.memref_slice %arg3[%add3A, %add3A_124, %dma_start3A_137, %dma_start3A_138] : memref<32x10x8x128xi32, #tpu.memory_space<hbm>> -> memref<1x1x8x128xi32, #tpu.memory_space<hbm>>
        %dma_start3A_140 = tpu.memref_squeeze %dma_start3A_139 : memref<1x1x8x128xi32, #tpu.memory_space<hbm>> -> memref<8x128xi32, #tpu.memory_space<hbm>>
        tpu.enqueue_dma source(%dma_start3A_140 : memref<8x128xi32, #tpu.memory_space<hbm>>) target(%dma_start3A_136 : memref<8x128xi32, #tpu.memory_space<vmem>>) target_semaphore(%arg13 : memref<!tpu.dma_semaphore, #tpu.memory_space<semaphore_mem>>)
        %add3A_141 = arith.constant 1 : i32
        %add3A_142 = arith.addi %select_n3A, %add3A_141 : i32
        %dma_start3A_143 = arith.constant 0 : i32
        %dma_start3A_144 = arith.constant 0 : i32
        %dma_start3A_145 = tpu.memref_slice %arg9[%rem3A_122, %dma_start3A_143, %dma_start3A_144] : memref<2x8x128xi32, #tpu.memory_space<vmem>> -> memref<1x8x128xi32, #tpu.memory_space<vmem>>
        %dma_start3A_146 = tpu.memref_squeeze %dma_start3A_145 : memref<1x8x128xi32, #tpu.memory_space<vmem>> -> memref<8x128xi32, #tpu.memory_space<vmem>>
        %dma_start3A_147 = arith.constant 0 : i32
        %dma_start3A_148 = arith.constant 0 : i32
        %dma_start3A_149 = tpu.memref_slice %arg4[%add3A, %add3A_142, %dma_start3A_147, %dma_start3A_148] : memref<32x10x8x128xi32, #tpu.memory_space<hbm>> -> memref<1x1x8x128xi32, #tpu.memory_space<hbm>>
        %dma_start3A_150 = tpu.memref_squeeze %dma_start3A_149 : memref<1x1x8x128xi32, #tpu.memory_space<hbm>> -> memref<8x128xi32, #tpu.memory_space<hbm>>
        %dma_start3A_151 = arith.constant 0 : i32
        %dma_start3A_152 = arith.constant 0 : i32
        %dma_start3A_153 = tpu.memref_slice %arg9[%rem3A_122, %dma_start3A_151, %dma_start3A_152] : memref<2x8x128xi32, #tpu.memory_space<vmem>> -> memref<1x8x128xi32, #tpu.memory_space<vmem>>
        %dma_start3A_154 = tpu.memref_squeeze %dma_start3A_153 : memref<1x8x128xi32, #tpu.memory_space<vmem>> -> memref<8x128xi32, #tpu.memory_space<vmem>>
        %dma_start3A_155 = arith.constant 0 : i32
        %dma_start3A_156 = arith.constant 0 : i32
        %dma_start3A_157 = tpu.memref_slice %arg4[%add3A, %add3A_142, %dma_start3A_155, %dma_start3A_156] : memref<32x10x8x128xi32, #tpu.memory_space<hbm>> -> memref<1x1x8x128xi32, #tpu.memory_space<hbm>>
        %dma_start3A_158 = tpu.memref_squeeze %dma_start3A_157 : memref<1x1x8x128xi32, #tpu.memory_space<hbm>> -> memref<8x128xi32, #tpu.memory_space<hbm>>
        tpu.enqueue_dma source(%dma_start3A_158 : memref<8x128xi32, #tpu.memory_space<hbm>>) target(%dma_start3A_154 : memref<8x128xi32, #tpu.memory_space<vmem>>) target_semaphore(%arg13 : memref<!tpu.dma_semaphore, #tpu.memory_space<semaphore_mem>>)
      } else {
      }
      %dma_wait3A = arith.constant 0 : i32
      %dma_wait3A_93 = arith.constant 0 : i32
      %dma_wait3A_94 = arith.constant 0 : i32
      %dma_wait3A_95 = arith.constant 0 : i32
      %dma_wait3A_96 = tpu.memref_slice %arg10[%rem3A_84, %dma_wait3A_94, %dma_wait3A_95] : memref<2x128x128xf32, #tpu.memory_space<vmem>> -> memref<1x128x128xf32, #tpu.memory_space<vmem>>
      %dma_wait3A_97 = tpu.memref_squeeze %dma_wait3A_96 : memref<1x128x128xf32, #tpu.memory_space<vmem>> -> memref<128x128xf32, #tpu.memory_space<vmem>>
      %dma_wait3A_98 = arith.constant 0 : i32
      %dma_wait3A_99 = tpu.memref_slice %arg8[%dma_wait3A, %dma_wait3A_93, %dma_wait3A_98] : memref<2x8x128xi32, #tpu.memory_space<vmem>> -> memref<1x1x128xi32, #tpu.memory_space<vmem>>
      %dma_wait3A_100 = tpu.memref_squeeze %dma_wait3A_99 : memref<1x1x128xi32, #tpu.memory_space<vmem>> -> memref<128xi32, #tpu.memory_space<vmem>>
      %dma_wait3A_101 = arith.constant 0 : i32
      %dma_wait3A_102 = arith.constant 0 : i32
      %dma_wait3A_103 = tpu.memref_slice %arg2[%dma_wait3A_101, %dma_wait3A_102] : memref<10240x128xf32, #tpu.memory_space<hbm>> -> memref<10240x128xf32, #tpu.memory_space<hbm>>
      tpu.wait_indirect_dma semaphore(%arg11 : memref<!tpu.dma_semaphore, #tpu.memory_space<semaphore_mem>>) src(%dma_wait3A_103 : memref<10240x128xf32, #tpu.memory_space<hbm>>) dst(%dma_wait3A_97 : memref<128x128xf32, #tpu.memory_space<vmem>>)
      %scan3A_104 = arith.constant 0 : i32
      %scan3A_105 = arith.constant 0 : i32
      %scan3A_106 = arith.constant 8 : i32
      %scan3A_107 = arith.addi %scan3A_105, %scan3A_106 : i32
      %scan3A_108 = arith.constant 1 : i32
      %scan3A_109 = scf.for %scan3A_119 = %scan3A_105 to %scan3A_107 step %scan3A_108 iter_args(%scan3A_120 = %scan3A_104) -> (i32)  : i32 {
        %mul3A_121 = arith.constant 16 : i32
        %mul3A_122 = arith.muli %scan3A_119, %mul3A_121 : i32
        %get3A = arith.index_cast %rem3A_82 : i32 to index
        %get3A_123 = arith.index_cast %select_n3A_80 : i32 to index
        %get3A_124 = arith.index_cast %mul3A_122 : i32 to index
        %get3A_125 = tpu.vector_load %arg9[%get3A, %get3A_123, %get3A_124] {strides = array<i32>} : memref<2x8x128xi32, #tpu.memory_space<vmem>>, vector<16xi32>,
        tpu.vector_store_idx %arg14[%get3A_125], %broadcast_in_dim3A_28 {add = true} : memref<10240xf32, #tpu.memory_space<vmem>>[vector<16xi32>], vector<16xf32>,
        %scan3A_126 = arith.constant 0 : i32
        scf.yield %scan3A_126 : i32
      }
      %scan3A_110 = arith.constant 8 : i32
      %add3A_111 = arith.constant 1 : i32
      %add3A_112 = arith.addi %scan3A_49, %add3A_111 : i32
      %lt3A_113 = arith.constant 80 : i32
      %lt3A_114 = arith.cmpi slt, %add3A_112, %lt3A_113 : i32
      %convert_element_type3A_115 = arith.extui %lt3A_114 : i1 to i32
      %cond3A_116 = arith.constant 0 : i32
      %cond3A_117 = arith.cmpi ne, %convert_element_type3A_115, %cond3A_116 : i32
      scf.if %cond3A_117 {
        %add3A_119 = arith.constant 1 : i32
        %add3A_120 = arith.addi %scan3A_49, %add3A_119 : i32
        %jit3A_121 = arith.constant 8 : i32
        %div3A_122 = arith.divsi %add3A_120, %jit3A_121 : i32
        %sign3A_123 = arith.constant 0 : i32
        %sign3A_124 = arith.cmpi sgt, %add3A_120, %sign3A_123 : i32
        %sign3A_125 = arith.extui %sign3A_124 : i1 to i32
        %sign3A_126 = arith.constant 0 : i32
        %sign3A_127 = arith.cmpi slt, %add3A_120, %sign3A_126 : i32
        %sign3A_128 = arith.extui %sign3A_127 : i1 to i32
        %sign3A_129 = arith.subi %sign3A_125, %sign3A_128 : i32
        %sign3A_130 = arith.constant 0 : i32
        %sign3A_131 = arith.cmpi sgt, %jit3A_121, %sign3A_130 : i32
        %sign3A_132 = arith.extui %sign3A_131 : i1 to i32
        %sign3A_133 = arith.constant 0 : i32
        %sign3A_134 = arith.cmpi slt, %jit3A_121, %sign3A_133 : i32
        %sign3A_135 = arith.extui %sign3A_134 : i1 to i32
        %sign3A_136 = arith.subi %sign3A_132, %sign3A_135 : i32
        %ne3A_137 = arith.cmpi ne, %sign3A_129, %sign3A_136 : i32
        %rem3A_138 = arith.remsi %add3A_120, %jit3A_121 : i32
        %ne3A_139 = arith.constant 0 : i32
        %ne3A_140 = arith.cmpi ne, %rem3A_138, %ne3A_139 : i32
        %and3A_141 = arith.andi %ne3A_137, %ne3A_140 : i1
        %sub3A_142 = arith.constant 1 : i32
        %sub3A_143 = arith.subi %div3A_122, %sub3A_142 : i32
        %select_n3A_144 = arith.select %and3A_141, %sub3A_143, %div3A_122 : i32
        %add3A_145 = arith.constant 1 : i32
        %add3A_146 = arith.addi %scan3A_49, %add3A_145 : i32
        %jit3A_147 = arith.constant 8 : i32
        %eq3A_148 = arith.constant 0 : i32
        %eq3A_149 = arith.cmpi eq, %jit3A_147, %eq3A_148 : i32
        %jit3A_150 = arith.constant 1 : i32
        %select_n3A_151 = arith.select %eq3A_149, %jit3A_150, %jit3A_147 : i32
        %rem3A_152 = arith.remsi %add3A_146, %select_n3A_151 : i32
        %ne3A_153 = arith.constant 0 : i32
        %ne3A_154 = arith.cmpi ne, %rem3A_152, %ne3A_153 : i32
        %lt3A_155 = arith.constant 0 : i32
        %lt3A_156 = arith.cmpi slt, %rem3A_152, %lt3A_155 : i32
        %lt3A_157 = arith.constant 0 : i32
        %lt3A_158 = arith.cmpi slt, %select_n3A_151, %lt3A_157 : i32
        %ne3A_159 = arith.xori %lt3A_156, %lt3A_158 : i1
        %and3A_160 = arith.andi %ne3A_159, %ne3A_154 : i1
        %add3A_161 = arith.addi %rem3A_152, %select_n3A_151 : i32
        %select_n3A_162 = arith.select %and3A_160, %add3A_161, %rem3A_152 : i32
        %rem3A_163 = arith.constant 2 : i32
        %rem3A_164 = arith.remsi %select_n3A_144, %rem3A_163 : i32
        %eq3A_165 = arith.constant 0 : i32
        %eq3A_166 = arith.cmpi eq, %select_n3A_162, %eq3A_165 : i32
        %convert_element_type3A_167 = arith.extui %eq3A_166 : i1 to i32
        %cond3A_168 = arith.constant 0 : i32
        %cond3A_169 = arith.cmpi ne, %convert_element_type3A_167, %cond3A_168 : i32
        scf.if %cond3A_169 {
          %dma_wait3A_182 = arith.constant 0 : i32
          %dma_wait3A_183 = arith.constant 0 : i32
          %dma_wait3A_184 = arith.constant 0 : i32
          %dma_wait3A_185 = arith.constant 0 : i32
          %dma_wait3A_186 = tpu.memref_slice %arg8[%dma_wait3A_183, %dma_wait3A_184, %dma_wait3A_185] : memref<2x8x128xi32, #tpu.memory_space<vmem>> -> memref<1x8x128xi32, #tpu.memory_space<vmem>>
          %dma_wait3A_187 = tpu.memref_squeeze %dma_wait3A_186 : memref<1x8x128xi32, #tpu.memory_space<vmem>> -> memref<8x128xi32, #tpu.memory_space<vmem>>
          %dma_wait3A_188 = arith.constant 0 : i32
          %dma_wait3A_189 = arith.constant 0 : i32
          %dma_wait3A_190 = tpu.memref_slice %arg3[%add3A, %dma_wait3A_182, %dma_wait3A_188, %dma_wait3A_189] : memref<32x10x8x128xi32, #tpu.memory_space<hbm>> -> memref<1x1x8x128xi32, #tpu.memory_space<hbm>>
          %dma_wait3A_191 = tpu.memref_squeeze %dma_wait3A_190 : memref<1x1x8x128xi32, #tpu.memory_space<hbm>> -> memref<8x128xi32, #tpu.memory_space<hbm>>
          %dma_wait3A_192 = arith.constant 0 : i32
          %dma_wait3A_193 = arith.constant 0 : i32
          %dma_wait3A_194 = tpu.memref_slice %arg8[%dma_wait3A_183, %dma_wait3A_192, %dma_wait3A_193] : memref<2x8x128xi32, #tpu.memory_space<vmem>> -> memref<1x8x128xi32, #tpu.memory_space<vmem>>
          %dma_wait3A_195 = tpu.memref_squeeze %dma_wait3A_194 : memref<1x8x128xi32, #tpu.memory_space<vmem>> -> memref<8x128xi32, #tpu.memory_space<vmem>>
          %dma_wait3A_196 = arith.constant 0 : i32
          %dma_wait3A_197 = arith.constant 0 : i32
          %dma_wait3A_198 = tpu.memref_slice %arg3[%add3A, %dma_wait3A_182, %dma_wait3A_196, %dma_wait3A_197] : memref<32x10x8x128xi32, #tpu.memory_space<hbm>> -> memref<1x1x8x128xi32, #tpu.memory_space<hbm>>
          %dma_wait3A_199 = tpu.memref_squeeze %dma_wait3A_198 : memref<1x1x8x128xi32, #tpu.memory_space<hbm>> -> memref<8x128xi32, #tpu.memory_space<hbm>>
          tpu.wait_dma2 semaphore(%arg13 : memref<!tpu.dma_semaphore, #tpu.memory_space<semaphore_mem>>) src(%dma_wait3A_199 : memref<8x128xi32, #tpu.memory_space<hbm>>) dst(%dma_wait3A_195 : memref<8x128xi32, #tpu.memory_space<vmem>>)
          %dma_wait3A_200 = arith.constant 0 : i32
          %dma_wait3A_201 = arith.constant 0 : i32
          %dma_wait3A_202 = arith.constant 0 : i32
          %dma_wait3A_203 = arith.constant 0 : i32
          %dma_wait3A_204 = tpu.memref_slice %arg9[%dma_wait3A_201, %dma_wait3A_202, %dma_wait3A_203] : memref<2x8x128xi32, #tpu.memory_space<vmem>> -> memref<1x8x128xi32, #tpu.memory_space<vmem>>
          %dma_wait3A_205 = tpu.memref_squeeze %dma_wait3A_204 : memref<1x8x128xi32, #tpu.memory_space<vmem>> -> memref<8x128xi32, #tpu.memory_space<vmem>>
          %dma_wait3A_206 = arith.constant 0 : i32
          %dma_wait3A_207 = arith.constant 0 : i32
          %dma_wait3A_208 = tpu.memref_slice %arg4[%add3A, %dma_wait3A_200, %dma_wait3A_206, %dma_wait3A_207] : memref<32x10x8x128xi32, #tpu.memory_space<hbm>> -> memref<1x1x8x128xi32, #tpu.memory_space<hbm>>
          %dma_wait3A_209 = tpu.memref_squeeze %dma_wait3A_208 : memref<1x1x8x128xi32, #tpu.memory_space<hbm>> -> memref<8x128xi32, #tpu.memory_space<hbm>>
          %dma_wait3A_210 = arith.constant 0 : i32
          %dma_wait3A_211 = arith.constant 0 : i32
          %dma_wait3A_212 = tpu.memref_slice %arg9[%dma_wait3A_201, %dma_wait3A_210, %dma_wait3A_211] : memref<2x8x128xi32, #tpu.memory_space<vmem>> -> memref<1x8x128xi32, #tpu.memory_space<vmem>>
          %dma_wait3A_213 = tpu.memref_squeeze %dma_wait3A_212 : memref<1x8x128xi32, #tpu.memory_space<vmem>> -> memref<8x128xi32, #tpu.memory_space<vmem>>
          %dma_wait3A_214 = arith.constant 0 : i32
          %dma_wait3A_215 = arith.constant 0 : i32
          %dma_wait3A_216 = tpu.memref_slice %arg4[%add3A, %dma_wait3A_200, %dma_wait3A_214, %dma_wait3A_215] : memref<32x10x8x128xi32, #tpu.memory_space<hbm>> -> memref<1x1x8x128xi32, #tpu.memory_space<hbm>>
          %dma_wait3A_217 = tpu.memref_squeeze %dma_wait3A_216 : memref<1x1x8x128xi32, #tpu.memory_space<hbm>> -> memref<8x128xi32, #tpu.memory_space<hbm>>
          tpu.wait_dma2 semaphore(%arg13 : memref<!tpu.dma_semaphore, #tpu.memory_space<semaphore_mem>>) src(%dma_wait3A_217 : memref<8x128xi32, #tpu.memory_space<hbm>>) dst(%dma_wait3A_213 : memref<8x128xi32, #tpu.memory_space<vmem>>)
        } else {
        }
        %sub3A_170 = arith.constant 1 : i32
        %sub3A_171 = arith.subi %sub3A_170, %rem3A_84 : i32
        %dma_start3A_172 = arith.constant 0 : i32
        %dma_start3A_173 = arith.constant 0 : i32
        %dma_start3A_174 = tpu.memref_slice %arg10[%sub3A_171, %dma_start3A_172, %dma_start3A_173] : memref<2x128x128xf32, #tpu.memory_space<vmem>> -> memref<1x128x128xf32, #tpu.memory_space<vmem>>
        %dma_start3A_175 = tpu.memref_squeeze %dma_start3A_174 : memref<1x128x128xf32, #tpu.memory_space<vmem>> -> memref<128x128xf32, #tpu.memory_space<vmem>>
        %dma_start3A_176 = arith.constant 0 : i32
        %dma_start3A_177 = tpu.memref_slice %arg8[%rem3A_164, %select_n3A_162, %dma_start3A_176] : memref<2x8x128xi32, #tpu.memory_space<vmem>> -> memref<1x1x128xi32, #tpu.memory_space<vmem>>
        %dma_start3A_178 = tpu.memref_squeeze %dma_start3A_177 : memref<1x1x128xi32, #tpu.memory_space<vmem>> -> memref<128xi32, #tpu.memory_space<vmem>>
        %dma_start3A_179 = arith.constant 0 : i32
        %dma_start3A_180 = arith.constant 0 : i32
        %dma_start3A_181 = tpu.memref_slice %arg2[%dma_start3A_179, %dma_start3A_180] : memref<10240x128xf32, #tpu.memory_space<hbm>> -> memref<10240x128xf32, #tpu.memory_space<hbm>>
        tpu.enqueue_indirect_dma source(%dma_start3A_181 : memref<10240x128xf32, #tpu.memory_space<hbm>>) target(%dma_start3A_175 : memref<128x128xf32, #tpu.memory_space<vmem>>) offsets(%dma_start3A_178 : memref<128xi32, #tpu.memory_space<vmem>>) semaphore(%arg11 : memref<!tpu.dma_semaphore, #tpu.memory_space<semaphore_mem>>)
      } else {
      }
      %scan3A_118 = arith.constant 0 : i32
      scf.yield %scan3A_118 : i32
    }
    %scan3A_47 = arith.constant 80 : i32
    "tpu.region"() ({
      %run_scoped3A_49 = tpu.sem_alloc : memref<!tpu.dma_semaphore, #tpu.memory_space<semaphore_mem>>
      %dma_start3A_50 = arith.constant 0 : i32
      %dma_start3A_51 = tpu.memref_slice %arg6[%add3A, %dma_start3A_50] : memref<32x10240xf32, #tpu.memory_space<hbm>> -> memref<1x10240xf32, #tpu.memory_space<hbm>>
      %dma_start3A_52 = tpu.memref_squeeze %dma_start3A_51 : memref<1x10240xf32, #tpu.memory_space<hbm>> -> memref<10240xf32, #tpu.memory_space<hbm>>
      %dma_start3A_53 = arith.constant 0 : i32
      %dma_start3A_54 = tpu.memref_slice %arg6[%add3A, %dma_start3A_53] : memref<32x10240xf32, #tpu.memory_space<hbm>> -> memref<1x10240xf32, #tpu.memory_space<hbm>>
      %dma_start3A_55 = tpu.memref_squeeze %dma_start3A_54 : memref<1x10240xf32, #tpu.memory_space<hbm>> -> memref<10240xf32, #tpu.memory_space<hbm>>
      tpu.enqueue_dma source(%arg14 : memref<10240xf32, #tpu.memory_space<vmem>>) target(%dma_start3A_55 : memref<10240xf32, #tpu.memory_space<hbm>>) target_semaphore(%run_scoped3A_49 : memref<!tpu.dma_semaphore, #tpu.memory_space<semaphore_mem>>)
      %dma_wait3A = arith.constant 0 : i32
      %dma_wait3A_56 = tpu.memref_slice %arg6[%add3A, %dma_wait3A] : memref<32x10240xf32, #tpu.memory_space<hbm>> -> memref<1x10240xf32, #tpu.memory_space<hbm>>
      %dma_wait3A_57 = tpu.memref_squeeze %dma_wait3A_56 : memref<1x10240xf32, #tpu.memory_space<hbm>> -> memref<10240xf32, #tpu.memory_space<hbm>>
      %dma_wait3A_58 = arith.constant 0 : i32
      %dma_wait3A_59 = tpu.memref_slice %arg6[%add3A, %dma_wait3A_58] : memref<32x10240xf32, #tpu.memory_space<hbm>> -> memref<1x10240xf32, #tpu.memory_space<hbm>>
      %dma_wait3A_60 = tpu.memref_squeeze %dma_wait3A_59 : memref<1x10240xf32, #tpu.memory_space<hbm>> -> memref<10240xf32, #tpu.memory_space<hbm>>
      tpu.wait_dma2 semaphore(%run_scoped3A_49 : memref<!tpu.dma_semaphore, #tpu.memory_space<semaphore_mem>>) src(%arg14 : memref<10240xf32, #tpu.memory_space<vmem>>) dst(%dma_wait3A_60 : memref<10240xf32, #tpu.memory_space<hbm>>)
      tpu.yield
    }) : () -> ()
    %barrier3A_48 = arith.constant 0 : index
    tpu.barrier barrier_id(%barrier3A_48)
    "tpu.region"() ({
      %run_scoped3A_49 = tpu.sem_alloc : memref<!tpu.dma_semaphore, #tpu.memory_space<semaphore_mem>>
      %dma_start3A_50 = arith.constant 0 : i32
      %dma_start3A_51 = tpu.memref_slice %arg5[%arg0, %mul3A_12, %dma_start3A_50] : memref<2x10240x128xf32, #tpu.memory_space<hbm>> -> memref<1x640x128xf32, #tpu.memory_space<hbm>>
      %dma_start3A_52 = tpu.memref_squeeze %dma_start3A_51 : memref<1x640x128xf32, #tpu.memory_space<hbm>> -> memref<640x128xf32, #tpu.memory_space<hbm>>
      %dma_start3A_53 = arith.constant 0 : i32
      %dma_start3A_54 = tpu.memref_slice %arg7[%mul3A_12, %dma_start3A_53] : memref<10240x128xf32, #tpu.memory_space<vmem_shared>> -> memref<640x128xf32, #tpu.memory_space<vmem_shared>>
      tpu.enqueue_dma source(%dma_start3A_54 : memref<640x128xf32, #tpu.memory_space<vmem_shared>>) target(%dma_start3A_52 : memref<640x128xf32, #tpu.memory_space<hbm>>) target_semaphore(%run_scoped3A_49 : memref<!tpu.dma_semaphore, #tpu.memory_space<semaphore_mem>>)
      %dma_wait3A = arith.constant 0 : i32
      %dma_wait3A_55 = tpu.memref_slice %arg5[%arg0, %mul3A_12, %dma_wait3A] : memref<2x10240x128xf32, #tpu.memory_space<hbm>> -> memref<1x640x128xf32, #tpu.memory_space<hbm>>
      %dma_wait3A_56 = tpu.memref_squeeze %dma_wait3A_55 : memref<1x640x128xf32, #tpu.memory_space<hbm>> -> memref<640x128xf32, #tpu.memory_space<hbm>>
      %dma_wait3A_57 = arith.constant 0 : i32
      %dma_wait3A_58 = tpu.memref_slice %arg7[%mul3A_12, %dma_wait3A_57] : memref<10240x128xf32, #tpu.memory_space<vmem_shared>> -> memref<640x128xf32, #tpu.memory_space<vmem_shared>>
      tpu.wait_dma2 semaphore(%run_scoped3A_49 : memref<!tpu.dma_semaphore, #tpu.memory_space<semaphore_mem>>) src(%dma_wait3A_58 : memref<640x128xf32, #tpu.memory_space<vmem_shared>>) dst(%dma_wait3A_56 : memref<640x128xf32, #tpu.memory_space<hbm>>)
      tpu.yield
    }) : () -> ()
    return
  }
}

module attributes {stable_mosaic.version = 14 : i64} {
  func.func @_dense_body(%arg0: i32, %arg1: memref<2x512x128xf32, #tpu.memory_space<vmem>>, %arg2: memref<512x32xf32, #tpu.memory_space<vmem>>, %arg3: memref<512x128xf32, #tpu.memory_space<vmem>>, %arg4: memref<2x128x128xf32, #tpu.memory_space<vmem>>, %arg5: memref<512x128xf32, #tpu.memory_space<vmem>>) attributes {dimension_semantics = [#tpu.dimension_semantics<arbitrary>], iteration_bounds = array<i64: 20>, scalar_prefetch = 0 : i64, scratch_operands = 0 : i64, tpu.core_type = #tpu.core_type<tc>, window_params = [{transform_indices = @transform_0, window_bounds = array<i64: 2, 512, 128>}, {transform_indices = @transform_1, window_bounds = array<i64: 512, 32>}, {transform_indices = @transform_2, window_bounds = array<i64: 512, 128>}, {pipeline_mode = #tpu.pipeline_mode<synchronous>, transform_indices = @transform_3, window_bounds = array<i64: 2, 128, 128>}, {transform_indices = @transform_4, window_bounds = array<i64: 512, 128>}]} {
    %get3A = arith.constant 0 : index
    %get3A_0 = arith.constant 0 : index
    %get3A_1 = vector.load %arg2[%get3A, %get3A_0] : memref<512x32xf32, #tpu.memory_space<vmem>>, vector<512x32xf32>
    %reduce_sum3A = arith.constant dense<0.000000e+00> : vector<512xf32>
    %reduce_sum3A_2 = vector.multi_reduction <add>, %get3A_1, %reduce_sum3A [1] : vector<512x32xf32> to vector<512xf32>
    %max3A = arith.constant 1.000000e+00 : f32
    %max3A_3 = vector.broadcast %max3A : f32 to vector<512xf32>
    %max3A_4 = arith.maximumf %reduce_sum3A_2, %max3A_3 : vector<512xf32>
    %div3A = arith.constant 1.000000e+00 : f32
    %div3A_5 = vector.broadcast %div3A : f32 to vector<512xf32>
    %div3A_6 = arith.divf %div3A_5, %max3A_4 : vector<512xf32>
    %get3A_7 = arith.constant 0 : index
    %get3A_8 = arith.constant 0 : index
    %get3A_9 = arith.constant 0 : index
    %get3A_10 = vector.load %arg1[%get3A_7, %get3A_8, %get3A_9] : memref<2x512x128xf32, #tpu.memory_space<vmem>>, vector<1x512x128xf32>
    %get3A_11 = vector.shape_cast %get3A_10 : vector<1x512x128xf32> to vector<512x128xf32>
    %get3A_12 = arith.constant 1 : index
    %get3A_13 = arith.constant 0 : index
    %get3A_14 = arith.constant 0 : index
    %get3A_15 = vector.load %arg1[%get3A_12, %get3A_13, %get3A_14] : memref<2x512x128xf32, #tpu.memory_space<vmem>>, vector<1x512x128xf32>
    %get3A_16 = vector.shape_cast %get3A_15 : vector<1x512x128xf32> to vector<512x128xf32>
    %add3A = arith.addf %get3A_11, %get3A_16 : vector<512x128xf32>
    %broadcast_in_dim3A = vector.shape_cast %div3A_6 : vector<512xf32> to vector<512x1xf32>
    %mul3A = vector.broadcast %broadcast_in_dim3A : vector<512x1xf32> to vector<512x128xf32>
    %mul3A_17 = arith.mulf %add3A, %mul3A : vector<512x128xf32>
    %get3A_18 = arith.constant 0 : index
    %get3A_19 = arith.constant 0 : index
    %get3A_20 = vector.load %arg3[%get3A_18, %get3A_19] : memref<512x128xf32, #tpu.memory_space<vmem>>, vector<512x128xf32>
    %get3A_21 = arith.constant 0 : index
    %get3A_22 = arith.constant 0 : index
    %get3A_23 = arith.constant 0 : index
    %get3A_24 = vector.load %arg4[%get3A_21, %get3A_22, %get3A_23] : memref<2x128x128xf32, #tpu.memory_space<vmem>>, vector<1x128x128xf32>
    %get3A_25 = vector.shape_cast %get3A_24 : vector<1x128x128xf32> to vector<128x128xf32>
    %dot_general3A = arith.constant dense<0.000000e+00> : vector<512x128xf32>
    %dot_general3A_26 = tpu.matmul %get3A_20, %get3A_25, %dot_general3A {dimension_numbers = #tpu.dot_dimension_numbers<[1], [0], [0], [1], [0, 0, 1, 1], [], []>, transpose_lhs_hint = false} : vector<512x128xf32>, vector<128x128xf32>, vector<512x128xf32> -> vector<512x128xf32>
    %get3A_27 = arith.constant 1 : index
    %get3A_28 = arith.constant 0 : index
    %get3A_29 = arith.constant 0 : index
    %get3A_30 = vector.load %arg4[%get3A_27, %get3A_28, %get3A_29] : memref<2x128x128xf32, #tpu.memory_space<vmem>>, vector<1x128x128xf32>
    %get3A_31 = vector.shape_cast %get3A_30 : vector<1x128x128xf32> to vector<128x128xf32>
    %dot_general3A_32 = arith.constant dense<0.000000e+00> : vector<512x128xf32>
    %dot_general3A_33 = tpu.matmul %mul3A_17, %get3A_31, %dot_general3A_32 {dimension_numbers = #tpu.dot_dimension_numbers<[1], [0], [0], [1], [0, 0, 1, 1], [], []>, transpose_lhs_hint = false} : vector<512x128xf32>, vector<128x128xf32>, vector<512x128xf32> -> vector<512x128xf32>
    %add3A_34 = arith.addf %dot_general3A_26, %dot_general3A_33 : vector<512x128xf32>
    %max3A_35 = arith.constant 0.000000e+00 : f32
    %max3A_36 = vector.broadcast %max3A_35 : f32 to vector<512x128xf32>
    %max3A_37 = arith.maximumf %add3A_34, %max3A_36 : vector<512x128xf32>
    %mul3A_38 = arith.mulf %max3A_37, %max3A_37 : vector<512x128xf32>
    %reduce_sum3A_39 = arith.constant dense<0.000000e+00> : vector<512xf32>
    %reduce_sum3A_40 = vector.multi_reduction <add>, %mul3A_38, %reduce_sum3A_39 [1] : vector<512x128xf32> to vector<512xf32>
    %broadcast_in_dim3A_41 = vector.shape_cast %reduce_sum3A_40 : vector<512xf32> to vector<512x1xf32>
    %sqrt3A = math.sqrt %broadcast_in_dim3A_41 : vector<512x1xf32>
    %max3A_42 = arith.constant 9.99999996E-13 : f32
    %max3A_43 = vector.broadcast %max3A_42 : f32 to vector<512x1xf32>
    %max3A_44 = arith.maximumf %sqrt3A, %max3A_43 : vector<512x1xf32>
    %div3A_45 = vector.broadcast %max3A_44 : vector<512x1xf32> to vector<512x128xf32>
    %div3A_46 = arith.divf %max3A_37, %div3A_45 : vector<512x128xf32>
    %swap3A = arith.constant 0 : index
    %swap3A_47 = arith.constant 0 : index
    %swap3A_48 = vector.load %arg5[%swap3A, %swap3A_47] : memref<512x128xf32, #tpu.memory_space<vmem>>, vector<512x128xf32>
    tpu.vector_store %arg5[%swap3A, %swap3A_47], %div3A_46 {strides = array<i32>} : memref<512x128xf32, #tpu.memory_space<vmem>>, vector<512x128xf32>,
    return
  }
  func.func @transform_0(%arg0: i32) -> (i32, i32, i32) {
    %c0_i32 = arith.constant 0 : i32
    %c0_i32_0 = arith.constant 0 : i32
    %c0_i32_1 = arith.constant 0 : i32
    return %c0_i32, %arg0, %c0_i32_0 : i32, i32, i32
  }
  func.func @transform_1(%arg0: i32) -> (i32, i32) {
    %c0_i32 = arith.constant 0 : i32
    %c0_i32_0 = arith.constant 0 : i32
    return %arg0, %c0_i32 : i32, i32
  }
  func.func @transform_2(%arg0: i32) -> (i32, i32) {
    %c0_i32 = arith.constant 0 : i32
    %c0_i32_0 = arith.constant 0 : i32
    return %arg0, %c0_i32 : i32, i32
  }
  func.func @transform_3(%arg0: i32) -> (i32, i32, i32) {
    %c0_i32 = arith.constant 0 : i32
    %c0_i32_0 = arith.constant 0 : i32
    %c0_i32_1 = arith.constant 0 : i32
    %c0_i32_2 = arith.constant 0 : i32
    return %c0_i32, %c0_i32_0, %c0_i32_1 : i32, i32, i32
  }
  func.func @transform_4(%arg0: i32) -> (i32, i32) {
    %c0_i32 = arith.constant 0 : i32
    %c0_i32_0 = arith.constant 0 : i32
    return %arg0, %c0_i32 : i32, i32
  }
}

module attributes {stable_mosaic.version = 14 : i64} {
  func.func @_dense_body(%arg0: i32, %arg1: memref<2x512x128xf32, #tpu.memory_space<vmem>>, %arg2: memref<512x32xf32, #tpu.memory_space<vmem>>, %arg3: memref<512x128xf32, #tpu.memory_space<vmem>>, %arg4: memref<2x128x128xf32, #tpu.memory_space<vmem>>, %arg5: memref<512x128xf32, #tpu.memory_space<vmem>>) attributes {dimension_semantics = [#tpu.dimension_semantics<arbitrary>], iteration_bounds = array<i64: 20>, scalar_prefetch = 0 : i64, scratch_operands = 0 : i64, tpu.core_type = #tpu.core_type<tc>, window_params = [{transform_indices = @transform_0, window_bounds = array<i64: 2, 512, 128>}, {transform_indices = @transform_1, window_bounds = array<i64: 512, 32>}, {transform_indices = @transform_2, window_bounds = array<i64: 512, 128>}, {pipeline_mode = #tpu.pipeline_mode<synchronous>, transform_indices = @transform_3, window_bounds = array<i64: 2, 128, 128>}, {transform_indices = @transform_4, window_bounds = array<i64: 512, 128>}]} {
    %get3A = arith.constant 0 : index
    %get3A_0 = arith.constant 0 : index
    %get3A_1 = vector.load %arg2[%get3A, %get3A_0] : memref<512x32xf32, #tpu.memory_space<vmem>>, vector<512x32xf32>
    %reduce_sum3A = arith.constant dense<0.000000e+00> : vector<512xf32>
    %reduce_sum3A_2 = vector.multi_reduction <add>, %get3A_1, %reduce_sum3A [1] : vector<512x32xf32> to vector<512xf32>
    %max3A = arith.constant 1.000000e+00 : f32
    %max3A_3 = vector.broadcast %max3A : f32 to vector<512xf32>
    %max3A_4 = arith.maximumf %reduce_sum3A_2, %max3A_3 : vector<512xf32>
    %div3A = arith.constant 1.000000e+00 : f32
    %div3A_5 = vector.broadcast %div3A : f32 to vector<512xf32>
    %div3A_6 = arith.divf %div3A_5, %max3A_4 : vector<512xf32>
    %get3A_7 = arith.constant 0 : index
    %get3A_8 = arith.constant 0 : index
    %get3A_9 = arith.constant 0 : index
    %get3A_10 = vector.load %arg1[%get3A_7, %get3A_8, %get3A_9] : memref<2x512x128xf32, #tpu.memory_space<vmem>>, vector<1x512x128xf32>
    %get3A_11 = vector.shape_cast %get3A_10 : vector<1x512x128xf32> to vector<512x128xf32>
    %get3A_12 = arith.constant 1 : index
    %get3A_13 = arith.constant 0 : index
    %get3A_14 = arith.constant 0 : index
    %get3A_15 = vector.load %arg1[%get3A_12, %get3A_13, %get3A_14] : memref<2x512x128xf32, #tpu.memory_space<vmem>>, vector<1x512x128xf32>
    %get3A_16 = vector.shape_cast %get3A_15 : vector<1x512x128xf32> to vector<512x128xf32>
    %add3A = arith.addf %get3A_11, %get3A_16 : vector<512x128xf32>
    %broadcast_in_dim3A = vector.shape_cast %div3A_6 : vector<512xf32> to vector<512x1xf32>
    %mul3A = vector.broadcast %broadcast_in_dim3A : vector<512x1xf32> to vector<512x128xf32>
    %mul3A_17 = arith.mulf %add3A, %mul3A : vector<512x128xf32>
    %get3A_18 = arith.constant 0 : index
    %get3A_19 = arith.constant 0 : index
    %get3A_20 = vector.load %arg3[%get3A_18, %get3A_19] : memref<512x128xf32, #tpu.memory_space<vmem>>, vector<512x128xf32>
    %get3A_21 = arith.constant 0 : index
    %get3A_22 = arith.constant 0 : index
    %get3A_23 = arith.constant 0 : index
    %get3A_24 = vector.load %arg4[%get3A_21, %get3A_22, %get3A_23] : memref<2x128x128xf32, #tpu.memory_space<vmem>>, vector<1x128x128xf32>
    %get3A_25 = vector.shape_cast %get3A_24 : vector<1x128x128xf32> to vector<128x128xf32>
    %dot_general3A = arith.constant dense<0.000000e+00> : vector<512x128xf32>
    %dot_general3A_26 = tpu.matmul %get3A_20, %get3A_25, %dot_general3A {dimension_numbers = #tpu.dot_dimension_numbers<[1], [0], [0], [1], [0, 0, 1, 1], [], []>, transpose_lhs_hint = false} : vector<512x128xf32>, vector<128x128xf32>, vector<512x128xf32> -> vector<512x128xf32>
    %get3A_27 = arith.constant 1 : index
    %get3A_28 = arith.constant 0 : index
    %get3A_29 = arith.constant 0 : index
    %get3A_30 = vector.load %arg4[%get3A_27, %get3A_28, %get3A_29] : memref<2x128x128xf32, #tpu.memory_space<vmem>>, vector<1x128x128xf32>
    %get3A_31 = vector.shape_cast %get3A_30 : vector<1x128x128xf32> to vector<128x128xf32>
    %dot_general3A_32 = arith.constant dense<0.000000e+00> : vector<512x128xf32>
    %dot_general3A_33 = tpu.matmul %mul3A_17, %get3A_31, %dot_general3A_32 {dimension_numbers = #tpu.dot_dimension_numbers<[1], [0], [0], [1], [0, 0, 1, 1], [], []>, transpose_lhs_hint = false} : vector<512x128xf32>, vector<128x128xf32>, vector<512x128xf32> -> vector<512x128xf32>
    %add3A_34 = arith.addf %dot_general3A_26, %dot_general3A_33 : vector<512x128xf32>
    %reduce_max3A = arith.constant dense<0xFF800000> : vector<512xf32>
    %reduce_max3A_35 = vector.multi_reduction <maximumf>, %add3A_34, %reduce_max3A [1] : vector<512x128xf32> to vector<512xf32>
    %max3A_36 = arith.constant 0xFF800000 : f32
    %max3A_37 = vector.broadcast %max3A_36 : f32 to vector<512xf32>
    %max3A_38 = arith.maximumf %max3A_37, %reduce_max3A_35 : vector<512xf32>
    %broadcast_in_dim3A_39 = vector.shape_cast %max3A_38 : vector<512xf32> to vector<512x1xf32>
    %sub3A = vector.broadcast %broadcast_in_dim3A_39 : vector<512x1xf32> to vector<512x128xf32>
    %sub3A_40 = arith.subf %add3A_34, %sub3A : vector<512x128xf32>
    %exp3A = math.exp %sub3A_40 : vector<512x128xf32>
    %reduce_sum3A_41 = arith.constant dense<0.000000e+00> : vector<512xf32>
    %reduce_sum3A_42 = vector.multi_reduction <add>, %exp3A, %reduce_sum3A_41 [1] : vector<512x128xf32> to vector<512xf32>
    %broadcast_in_dim3A_43 = vector.shape_cast %reduce_sum3A_42 : vector<512xf32> to vector<512x1xf32>
    %div3A_44 = vector.broadcast %broadcast_in_dim3A_43 : vector<512x1xf32> to vector<512x128xf32>
    %div3A_45 = arith.divf %exp3A, %div3A_44 : vector<512x128xf32>
    %mul3A_46 = arith.mulf %div3A_45, %div3A_45 : vector<512x128xf32>
    %reduce_sum3A_47 = arith.constant dense<0.000000e+00> : vector<512xf32>
    %reduce_sum3A_48 = vector.multi_reduction <add>, %mul3A_46, %reduce_sum3A_47 [1] : vector<512x128xf32> to vector<512xf32>
    %broadcast_in_dim3A_49 = vector.shape_cast %reduce_sum3A_48 : vector<512xf32> to vector<512x1xf32>
    %sqrt3A = math.sqrt %broadcast_in_dim3A_49 : vector<512x1xf32>
    %max3A_50 = arith.constant 9.99999996E-13 : f32
    %max3A_51 = vector.broadcast %max3A_50 : f32 to vector<512x1xf32>
    %max3A_52 = arith.maximumf %sqrt3A, %max3A_51 : vector<512x1xf32>
    %div3A_53 = vector.broadcast %max3A_52 : vector<512x1xf32> to vector<512x128xf32>
    %div3A_54 = arith.divf %div3A_45, %div3A_53 : vector<512x128xf32>
    %swap3A = arith.constant 0 : index
    %swap3A_55 = arith.constant 0 : index
    %swap3A_56 = vector.load %arg5[%swap3A, %swap3A_55] : memref<512x128xf32, #tpu.memory_space<vmem>>, vector<512x128xf32>
    tpu.vector_store %arg5[%swap3A, %swap3A_55], %div3A_54 {strides = array<i32>} : memref<512x128xf32, #tpu.memory_space<vmem>>, vector<512x128xf32>,
    return
  }
  func.func @transform_0(%arg0: i32) -> (i32, i32, i32) {
    %c0_i32 = arith.constant 0 : i32
    %c0_i32_0 = arith.constant 0 : i32
    %c0_i32_1 = arith.constant 0 : i32
    return %c0_i32, %arg0, %c0_i32_0 : i32, i32, i32
  }
  func.func @transform_1(%arg0: i32) -> (i32, i32) {
    %c0_i32 = arith.constant 0 : i32
    %c0_i32_0 = arith.constant 0 : i32
    return %arg0, %c0_i32 : i32, i32
  }
  func.func @transform_2(%arg0: i32) -> (i32, i32) {
    %c0_i32 = arith.constant 0 : i32
    %c0_i32_0 = arith.constant 0 : i32
    return %arg0, %c0_i32 : i32, i32
  }
  func.func @transform_3(%arg0: i32) -> (i32, i32, i32) {
    %c0_i32 = arith.constant 0 : i32
    %c0_i32_0 = arith.constant 0 : i32
    %c0_i32_1 = arith.constant 0 : i32
    %c0_i32_2 = arith.constant 0 : i32
    return %c0_i32, %c0_i32_0, %c0_i32_1 : i32, i32, i32
  }
  func.func @transform_4(%arg0: i32) -> (i32, i32) {
    %c0_i32 = arith.constant 0 : i32
    %c0_i32_0 = arith.constant 0 : i32
    return %arg0, %c0_i32 : i32, i32
  }
}

</mosaic_0001>

<sc_bundles>
// kernel: kernel.6.cloned.1.call-start
scs
__scs_entry_jumppad:
0x0: {  	(pc) =	sbr.rel $0x88, $3  }
0x1: {  	(tag) =	ssettag $0x0;
	lr =	simm.s32 $0x1  }
0x2: {  	[smem:$0x3F9D] =	sst lr;
	_ =	strace $0xD0000000  }
0x3: {  	_ = 	snop  }
0x4: {  	_ = 	snop  }
0x5: {  	_ = 	snop  }
0x6: {  	_ = 	snop  }
0x7: {  	_ = 	snop  }
__scs_overlays_trampoline_lowered:
0x8: {  	[smem:$0x3FAC] =	sst s0  }
0x9: {  	[smem:$0x3FAD] =	sst s1  }
0xa: {  	[smem:$0x3FAE] =	sst s2  }
0xb: {  	[smem:$0x3FAF] =	sst s3  }
0xc: {  	[smem:$0x3FB0] =	sst s4  }
0xd: {  	[smem:$0x3FB1] =	sst s5  }
0xe: {  	[smem:$0x3FB2] =	sst s6  }
0xf: {  	[smem:$0x3FB3] =	sst s7  }
0x10: {  	[smem:$0x3FB4] =	sst s8  }
0x11: {  	[smem:$0x3FB5] =	sst s9;
	s0 =	simm.s32 @!p0 $0x0  }
0x12: {  	s1 =	sld [smem:$0x3F9B];
	s0 =	simm.s32 @p0 $0x1  }
0x13: {  	[smem:$0x3FB6] =	sst s0;
	s0 =	simm.s32 @!p1 $0x0  }
0x14: {  	s2 =	sld [smem:$0x3F9A];
	s0 =	simm.s32 @p1 $0x1  }
0x15: {  	[smem:$0x3FB7] =	sst s0;
	s0 =	simm.s32 @!p2 $0x0  }
0x16: {  	s3 =	sld [smem:$0x3FDB];
	s0 =	simm.s32 @p2 $0x1  }
0x17: {  	s4 =	simm.s32 $0x1BF5;
	[smem:$0x3FB9] =	sst s0  }
0x18: {  	s0 =	sld [smem:$0x3F9C];
	_ =	swait.ge [sflag:s4], $0x0  }
0x19: {  	s7 =	sld [smem:$0x3F9D]  }
0x1a: {  	s8 =	sadd.s32 $0xFFFFE003, lr  }
0x1b: {  	s9 =	sadd.s32 $0xFFFFFEF7, lr;
	s5 =	simm.s32 $0xFFFFFFFF;
	p2 =	slt.u32 s8, $0xFFFFF086  }
0x1c: {  	p1 =	slt.u32 s9, $0xF7A;
	s5 =	simm.s32 @!p2 $0x0  }
0x1d: {  	s5 =	simm.s32 @p1 $0x1;
	p0 =	seq.s32 s7, s2  }
0x1e: {  	s7 =	smul.u32 @!p0 $0xF7A, s2;
	p2 =	seq.s32 @!p0 s5, $0x0  }
0x1f: {  	s9 =	smul.u32 $0xF7A, s1;
	s8 =	simm.s32 @!p0 $0x1BF5;
	p2 =	por !p2, p0  }
0x20: {  	[sflag:s8] =	ssyncset.s32 @!p0 $0xFFFFF086;
	s6 =	sadd.s32 @!p0 s3, s7;
	s7 =	simm.s32 @!p0 $0x108  }
0x21: {  	s3 =	sadd.s32 s3, s9;
	s6 =	sadd.s32 @!p0 $0x88, s6;
	s7 =	simm.s32 @p2 $0x1082  }
0x22: {  	[simem:s7], [sflag:s8] =	dma.local @!p0 [hbm:s6], $0xF7A  }
0x23: {  	s9 =	sor.u32 $0xD0000000, s2;
	s6 =	simm.s32 $0x108;
	_ =	swait.ge @!p0 [sflag:s8], $0x0  }
0x24: {  	s3 =	sadd.s32 $0x88, s3;
	s6 =	simm.s32 @!p1 $0x1082;
	[sflag:s4] =	ssyncset.s32 $0xFFFFF086  }
0x25: {  	[simem:s6], [sflag:s4] =	dma.local [hbm:s3], $0xF7A  }
0x26: {  	[smem:$0x3F9D] =	sst s1;
	(tag) =	ssettag s2;
	_ =	strace s9  }
0x27: {  	s1 =	sld [smem:$0x3FAD]  }
0x28: {  	s2 =	sld [smem:$0x3FAE]  }
0x29: {  	s4 =	sld [smem:$0x3FB0]  }
0x2a: {  	p0 =	seq.s32 s5, $0x0;
	s5 =	sld [smem:$0x3FB1]  }
0x2b: {  	s6 =	sld [smem:$0x3FB2]  }
0x2c: {  	s7 =	sld [smem:$0x3FB3]  }
0x2d: {  	s3 =	simm.s32 $0x108;
	s8 =	sld [smem:$0x3FB4]  }
0x2e: {  	s3 =	simm.s32 @!p0 $0x1082;
	s9 =	sld [smem:$0x3FB5]  }
0x2f: {  	lr =	sadd.s32 s0, s3;
	s0 =	sld [smem:$0x3FAC]  }
0x30: {  	s3 =	sld [smem:$0x3FAF]  }
0x31: {  	[smem:$0x3FB8] =	sst s10  }
0x32: {  	s10 =	sld [smem:$0x3FB6];
	_ =	sdelay $0x3  }
0x33: {  	p0 =	seq.s32 s10, $0x1;
	s10 =	sld [smem:$0x3FB8];
	_ =	sdelay $0x3  }
0x34: {  	[smem:$0x3FB8] =	sst s10  }
0x35: {  	s10 =	sld [smem:$0x3FB7];
	_ =	sdelay $0x3  }
0x36: {  	p1 =	seq.s32 s10, $0x1;
	s10 =	sld [smem:$0x3FB8];
	_ =	sdelay $0x3  }
0x37: {  	[smem:$0x3FB8] =	sst s10  }
0x38: {  	s10 =	sld [smem:$0x3FB9]  }
0x39: {  	_ = 	snop;
	(pc) =	sbr.ind lr, $3  }
0x3a: {  	_ = 	snop  }
0x3b: {  	_ = 	snop  }
0x3c: {  	p2 =	seq.s32 s10, $0x1;
	s10 =	sld [smem:$0x3FB8]  }
0x3d: {  	_ =	shalt  }
0x3e: {  	_ =	shalt  }
0x3f: {  	_ =	shalt  }
0x40: {  	_ =	shalt  }
0x41: {  	_ =	shalt  }
0x42: {  	_ =	shalt  }
0x43: {  	_ =	shalt  }
0x44: {  	_ =	shalt  }
0x45: {  	_ =	shalt  }
0x46: {  	_ =	shalt  }
0x47: {  	_ =	shalt  }
0x48: {  	_ =	shalt  }
0x49: {  	_ =	shalt  }
0x4a: {  	_ =	shalt  }
0x4b: {  	_ =	shalt  }
0x4c: {  	_ =	shalt  }
0x4d: {  	_ =	shalt  }
0x4e: {  	_ =	shalt  }
0x4f: {  	_ =	shalt  }
0x50: {  	_ =	shalt  }
0x51: {  	_ =	shalt  }
0x52: {  	_ =	shalt  }
0x53: {  	_ =	shalt  }
0x54: {  	_ =	shalt  }
0x55: {  	_ =	shalt  }
0x56: {  	_ =	shalt  }
0x57: {  	_ =	shalt  }
0x58: {  	_ =	shalt  }
0x59: {  	_ =	shalt  }
0x5a: {  	_ =	shalt  }
0x5b: {  	_ =	shalt  }
0x5c: {  	_ =	shalt  }
0x5d: {  	_ =	shalt  }
0x5e: {  	_ =	shalt  }
0x5f: {  	_ =	shalt  }
0x60: {  	_ =	shalt  }
0x61: {  	_ =	shalt  }
0x62: {  	_ =	shalt  }
0x63: {  	_ =	shalt  }
0x64: {  	_ =	shalt  }
0x65: {  	_ =	shalt  }
0x66: {  	_ =	shalt  }
0x67: {  	_ =	shalt  }
0x68: {  	_ =	shalt  }
0x69: {  	_ =	shalt  }
0x6a: {  	_ =	shalt  }
0x6b: {  	_ =	shalt  }
0x6c: {  	_ =	shalt  }
0x6d: {  	_ =	shalt  }
0x6e: {  	_ =	shalt  }
0x6f: {  	_ =	shalt  }
0x70: {  	_ =	shalt  }
0x71: {  	_ =	shalt  }
0x72: {  	_ =	shalt  }
0x73: {  	_ =	shalt  }
0x74: {  	_ =	shalt  }
0x75: {  	_ =	shalt  }
0x76: {  	_ =	shalt  }
0x77: {  	_ =	shalt  }
0x78: {  	_ =	shalt  }
0x79: {  	_ =	shalt  }
0x7a: {  	_ =	shalt  }
0x7b: {  	_ =	shalt  }
0x7c: {  	_ =	shalt  }
0x7d: {  	_ =	shalt  }
0x7e: {  	_ =	shalt  }
0x7f: {  	_ =	shalt  }
0x80: {  	_ =	shalt  }
0x81: {  	_ =	shalt  }
0x82: {  	_ =	shalt  }
0x83: {  	_ =	shalt  }
0x84: {  	_ =	shalt  }
0x85: {  	_ =	shalt  }
0x86: {  	_ =	shalt  }
0x87: {  	_ =	shalt  }
.Lfunc_end0:
.L_simem_size_0:
called_computation_lowered:
.L_overlay_start_0:
0x88: {  	s2 =	sld [smem:$0x3FD9]  }
0x89: {  	s3 =	sld [smem:$0x3FFE];
	_ =	sdelay $0x1  }
0x8a: {  	s1 =	srdreg.scid  }
0x8b: {  	s0 =	sand.u32 $0x1, s1  }
0x8c: {  	s17 =	sshll.u32 s0, $0xA;
	s2 =	sadd.s32 s3, s2  }
0x8d: {  	s2 =	sadd.s32 s2, s17  }
0x8e: {  	[smem:$0x3FC4] =	sst s2  }
0x8f: {  	_ = 	snop  }
0x90: {  	s2 =	sld [smem:$0x3FD0];
	(tm) =	ssettm $0x1  }
0x91: {  	s18 =	sld [smem:$0x3FFB];
	_ =	sdelay $0x3  }
0x92: {  	_ =	strace s18  }
0x93: {  	s3 =	sld [smem:$0x3FFC];
	_ =	sdelay $0x3  }
0x94: {  	_ =	strace s3  }
0x95: {  	s3 =	sld [smem:$0x3FFD];
	_ =	sdelay $0x3  }
0x96: {  	_ =	strace s3  }
0x97: {  	_ =	strace $0x8FFFFFFF  }
0x98: {  	s19 =	sld [smem:$0x3FDB];
	_ =	sdelay $0x1  }
0x99: {  	s4 =	simm.s32 $_scs_section_size  }
0x9a: {  	s5 =	simm.s32 $_size__tile_overlayer_lowered;
	s6 =	simm.s32 $_tile_overlayer_lowered  }
0x9b: {  	s22 =	simm.s32 $0x1BFF;
	s21 =	sshll.u32 s6, $0x1;
	s3 =	sadd.s32 s4, s19  }
0x9c: {  	s7 =	simm.s32 $0x0;
	s20 =	sshll.u32 s5, $0x1;
	s5 =	sadd.s32 s21, s3  }
0x9d: {  	[timem:s7], [sflag:s22] =	dma.local [hbm:s5], s20  }
0x9e: {  	_ =	swait.ge [sflag:s22], s20  }
0x9f: {  	s4 =	ssub.s32 $0x0, s20;
	[sflag:s22] =	ssyncset.done $0x0  }
0xa0: {  	[sflag:s22] =	ssyncadd.s32 s4;
	_ =	sdelay $0x1  }
0xa1: {  	s23 =	simm.s32 $0x1B8B  }
0xa2: {  	_ =	swait.ge [sflag:s23], $0x1  }
0xa3: {  	[sflag:s23] =	ssyncset.done $0x0  }
0xa4: {  	s25 =	simm.s32 $0x1B8E;
	s24 =	sld [smem:$0x3FFE];
	[sflag:s23] =	ssyncadd.s32 $0xFFFFFFFF  }
0xa5: {  	s26 =	simm.s32 $execute0_lowered;
	[smem:$0x3FD2] =	sst s25  }
0xa6: {  	s5 =	sshll.u32 s26, $0x1;
	_ =	strace $0x80000046;
	[dreg:$0x1] =	wrdreg $0xFFFFFFFF  }
0xa7: {  	s28 =	simm.s32 $_size_execute0_lowered;
	s3 =	sadd.s32 s3, s5;
	[dreg:$0x0] =	wrdreg $0x0  }
0xa8: {  	s5 =	sshll.u32 s28, $0x1;
	[dreg:$0x2] =	wrdreg s3  }
0xa9: {  	[dreg:$0x3] =	wrdreg s5  }
0xaa: {  	[dreg:$0x4] =	wrdreg $0xC0  }
0xab: {  	_ =	task [dreg:s7], $0x5FFFF  }
0xac: {  	[dreg:$0x1] =	wrdreg $0xFFFFFFFF  }
0xad: {  	[dreg:$0x0] =	wrdreg $0x60  }
0xae: {  	[dreg:$0x2] =	wrdreg s24  }
0xaf: {  	[dreg:$0x3] =	wrdreg s2  }
0xb0: {  	[dreg:$0x4] =	wrdreg $0x0  }
0xb1: {  	[dreg:$0x5] =	wrdreg $0x9  }
0xb2: {  	_ =	task.clear_ibuf [dreg:s7], $0x6FFFF;
	_ =	strace $0x90000046  }
0xb3: {  	s29 =	simm.s32 $0x9;
	_ =	strace $0x80000048  }
0xb4: {  	_ =	swait.ge [sflag:s29], $0x1  }
0xb5: {  	[sflag:s29] =	ssyncadd.s32 $0xFFFFFFFF  }
0xb6: {  	_ =	strace $0x90000048  }
0xb7: {  	_ =	sfence  }
0xb8: {  	s30 =	sld [smem:$0x0];
	_ =	sdelay $0x2  }
0xb9: {  	s31 =	sshll.u32 s1, $0xD;
	s1 =	sshrl.u32 s1, $0x2  }
0xba: {  	s3 =	sand.u32 $0x4000, s31;
	s1 =	sadd.s32 s1, s30  }
0xbb: {  	s0 =	sor.u32 s3, s0;
	s1 =	sshll.u32 s1, $0x11  }
0xbc: {  	s0 =	sor.u32 s1, s0  }
0xbd: {  	s0 =	sadd.s32 $0x8F2B, s0  }
0xbe: {  	[sflag:s0] =	ssyncadd.remote.s32 $0x1  }
0xbf: {  	_ =	sfence.sel $0xFFFF  }
0xc0: {  	[dreg:$0x0] =	wrdreg $0xFFFFFFFF;
	(pc) =	sbr.abs _section_cstart, $3  }
0xc1: {  	[dreg:$0x1] =	wrdreg $0xFFFFFFFF  }
0xc2: {  	_ =	task.clear_ibuf [dreg:s7], $0x2FFFF;
	_ =	strace $0x9FFFFFFF  }
0xc3: {  	(tm) =	ssettm $0x7FFFFFFF  }
tec
execute0_lowered:
.L_overlay_start_1:
0x0: {  	(tag) =	ssettag $0x1  }
0x1: {  	s0 =	rddreg [dreg:$0x0]  }
0x2: {  	s1 =	rddreg [dreg:$0x1]  }
0x3: {  	s2 =	rddreg [dreg:$0x2]  }
0x4: {  	s4 =	srdreg.scid;
	s12 =	stileid.u32  }
0x5: {  	s3 =	simm.s32 $0x0;
	s7 =	sand.u32 $0x1, s4;
	s6 =	smul.u32 $0x14000, s12  }
0x6: {  	[smem:$0x7FF] =	sst s3;
	s10 =	sshll.u32 s12, $0x7;
	s23 =	smul.u32 $0x50000, s12  }
0x7: {  	s5 =	smul.u32 $0x140000, s7;
	s4 =	sshll.u32 s7, $0x4;
	_ =	strace $0x80000047  }
0x8: {  	s10 =	sand.u32 $0x380, s10;
	s7 =	ssub.s32 $0x2, s7;
	s8 =	sor.u32 s12, s4  }
0x9: {  	s4 =	sadd.s32 $0xB600, s0;
	s24 =	sshrl.u32 s7, $0x1;
	s12 =	sshrl.u32 s23, $0x2  }
0xa: {  	s9 =	sshrl.u32 s8, $0x3;
	s6 =	sadd.s32 s6, s5;
	s5 =	sadd.s32 $0x1600, s0  }
0xb: {  	s7 =	ssub.s32 s7, s24;
	s9 =	smul.u32 $0x14000, s9;
	s6 =	sshrl.u32 s6, $0x3  }
0xc: {  	s15 =	smax.u32 s7, $0x1;
	s11 =	sadd.s32 s6, s0;
	s6 =	smul.u32 $0x2800, s8  }
0xd: {  	s7 =	simm.s32 $0x3;
	[dreg:$0x8] =	wrdreg s15;
	s8 =	simm.s32 $0x15000  }
0xe: {  	s9 =	sor.u32 s10, s9;
	s14 =	sadd.s32 $0x3D600, s11;
	s25 =	sshrl.u32 s6, $0x3  }
0xf: {  	s22 =	sshrl.u32 s9, $0x3;
	[dreg:$0x7] =	wrdreg s14;
	s26 =	sadd.s32 s1, s25  }
0x10: {  	s9 =	sadd.s32 s12, s2;
	s13 =	sadd.s32 s5, s25;
	[dreg:$0x4] =	wrdreg s26  }
0x11: {  	s10 =	simm.s32 $0x80;
	s16 =	sadd.s32 $0x1000, s9;
	[dreg:$0x5] =	wrdreg s13  }
0x12: {  	s11 =	simm.s32 $0x1;
	s17 =	sadd.s32 $0x2000, s9;
	[dreg:$0x9] =	wrdreg s16  }
0x13: {  	s2 =	simm.s32 $0x14000;
	s18 =	sadd.s32 $0x3000, s9;
	[dreg:$0xa] =	wrdreg s17  }
0x14: {  	s12 =	simm.s32 $0x1D000;
	s19 =	sadd.s32 $0x4000, s9;
	[dreg:$0xb] =	wrdreg s18  }
0x15: {  	s0 =	sadd.s32 s22, s0;
	s20 =	sadd.s32 $0x5000, s9;
	[dreg:$0xc] =	wrdreg s19  }
0x16: {  	s21 =	sadd.s32 $0x6000, s9;
	s22 =	sadd.s32 $0x7000, s9;
	[dreg:$0xd] =	wrdreg s20  }
0x17: {  	s23 =	sadd.s32 $0x8000, s9;
	s24 =	sadd.s32 $0x9000, s9;
	[dreg:$0xe] =	wrdreg s21  }
0x18: {  	s25 =	sadd.s32 $0xA000, s9;
	s28 =	sadd.s32 $0xF000, s9;
	[dreg:$0xf] =	wrdreg s22  }
0x19: {  	s29 =	sadd.s32 $0x10000, s9;
	s30 =	sadd.s32 $0x11000, s9;
	[dreg:$0x10] =	wrdreg s23  }
0x1a: {  	s31 =	sadd.s32 $0x12000, s9;
	s0 =	sadd.s32 $0x33600, s0;
	[dreg:$0x11] =	wrdreg s24  }
0x1b: {  	[dreg:$0x12] =	wrdreg s25;
	s26 =	sadd.s32 $0xB000, s9;
	s24 =	sadd.s32 $0xC000, s9  }
0x1c: {  	s25 =	sadd.s32 $0xD000, s9;
	s13 =	simm.s32 $0x0;
	[dreg:$0x6] =	wrdreg s0  }
0x1d: {  	v0 =	vimm.f32 $0.0e+00;
	v1 =	vimm.f32 $1.000000000e+00;
	[dreg:$0x13] =	wrdreg s26;
	s26 =	sadd.s32 $0xE000, s9;
	s0 =	sadd.s32 $0x13000, s9  }
.LBB2_1:
0x1e: {  	s14 =	rddreg [dreg:$0x4]  }
0x1f: {  	[tilespmem:s2], [sflag:$0x3] =	stream.linear.gather [hbm4b:s14+s3], $0x400, $0x38;
	[tilespmem:$0x1F800] =	vst v63  }
0x20: {  	_ =	swait.ge [sflag:s7], $0x400  }
0x21: {  	[sflag:s7] =	ssyncset.done $0x0  }
0x22: {  	s15 =	simm.s32 $0x14800;
	s21 =	rddreg [dreg:$0x5];
	[sflag:s7] =	ssyncadd.s32 $0xFFFFFC00  }
0x23: {  	[tilespmem:s15], [sflag:$0x3] =	stream.linear.gather [hbm4b:s21+s3], $0x400, $0x38;
	[tilespmem:$0x1F800] =	vst v63  }
0x24: {  	s22 =	sand.u32 $0x3E00, s3;
	s23 =	sand.u32 $0x70, s3;
	_ =	swait.ge [sflag:s7], $0x400  }
0x25: {  	s16 =	sshrl.u32 s22, $0x2;
	s14 =	simm.s32 $0x40;
	[sflag:s7] =	ssyncset.done $0x0  }
0x26: {  	s16 =	sor.u32 s23, s16;
	s15 =	simm.s32 $0x0;
	[sflag:s7] =	ssyncadd.s32 $0xFFFFFC00  }
.LBB2_2:
0x27: {  	p0 =	sne.s32 s14, $0x3FC0  }
0x28: {  	[tilespmem:s16+$0x15000] =	vst v0;
	s15 =	sadd.s32 $0x10, s15;
	s16 =	smov.u32 s14;
	s14 =	sadd.s32 $0x40, s14  }
.Ltmp0:
0x29: {  	(pc) =	sbr.rel @p0 .LBB2_2-.Ltmp0, $4  }
0x2a: {  	_ = 	snop  }
0x2b: {  	s16 =	sand.u32 $0x3E00, s16  }
0x2c: {  	s17 =	sand.u32 $0x70, s15;
	s16 =	sshrl.u32 s16, $0x2  }
0x2d: {  	s16 =	sor.u32 s17, s16  }
0x2e: {  	[tilespmem:s16+$0x15000] =	vst v0  }
0x2f: {  	[spmem:s9] =	stream.linear.scatter [tilespmem:s8], [sflag:$0x3], $0x1000, $0x38;
	[tilespmem:$0x1F800] =	vst v63  }
0x30: {  	_ =	swait.ge [sflag:s7], $0x1000  }
0x31: {  	[sflag:s7] =	ssyncset.done $0x0  }
0x32: {  	s14 =	rddreg [dreg:$0x9];
	[sflag:s7] =	ssyncadd.s32 $0xFFFFF000  }
0x33: {  	[spmem:s14] =	stream.linear.scatter [tilespmem:s8], [sflag:$0x3], $0x1000, $0x38;
	[tilespmem:$0x1F800] =	vst v63  }
0x34: {  	_ =	swait.ge [sflag:s7], $0x1000  }
0x35: {  	[sflag:s7] =	ssyncset.done $0x0  }
0x36: {  	s23 =	rddreg [dreg:$0xa];
	[sflag:s7] =	ssyncadd.s32 $0xFFFFF000  }
0x37: {  	[spmem:s23] =	stream.linear.scatter [tilespmem:s8], [sflag:$0x3], $0x1000, $0x38;
	[tilespmem:$0x1F800] =	vst v63  }
0x38: {  	_ =	swait.ge [sflag:s7], $0x1000  }
0x39: {  	[sflag:s7] =	ssyncset.done $0x0  }
0x3a: {  	s15 =	rddreg [dreg:$0xb];
	[sflag:s7] =	ssyncadd.s32 $0xFFFFF000  }
0x3b: {  	[spmem:s15] =	stream.linear.scatter [tilespmem:s8], [sflag:$0x3], $0x1000, $0x38;
	[tilespmem:$0x1F800] =	vst v63  }
0x3c: {  	_ =	swait.ge [sflag:s7], $0x1000  }
0x3d: {  	[sflag:s7] =	ssyncset.done $0x0  }
0x3e: {  	s16 =	rddreg [dreg:$0xc];
	[sflag:s7] =	ssyncadd.s32 $0xFFFFF000  }
0x3f: {  	[spmem:s16] =	stream.linear.scatter [tilespmem:s8], [sflag:$0x3], $0x1000, $0x38;
	[tilespmem:$0x1F800] =	vst v63  }
0x40: {  	_ =	swait.ge [sflag:s7], $0x1000  }
0x41: {  	[sflag:s7] =	ssyncset.done $0x0  }
0x42: {  	s17 =	rddreg [dreg:$0xd];
	[sflag:s7] =	ssyncadd.s32 $0xFFFFF000  }
0x43: {  	[spmem:s17] =	stream.linear.scatter [tilespmem:s8], [sflag:$0x3], $0x1000, $0x38;
	[tilespmem:$0x1F800] =	vst v63  }
0x44: {  	_ =	swait.ge [sflag:s7], $0x1000  }
0x45: {  	[sflag:s7] =	ssyncset.done $0x0  }
0x46: {  	s18 =	rddreg [dreg:$0xe];
	[sflag:s7] =	ssyncadd.s32 $0xFFFFF000  }
0x47: {  	[spmem:s18] =	stream.linear.scatter [tilespmem:s8], [sflag:$0x3], $0x1000, $0x38;
	[tilespmem:$0x1F800] =	vst v63  }
0x48: {  	_ =	swait.ge [sflag:s7], $0x1000  }
0x49: {  	[sflag:s7] =	ssyncset.done $0x0  }
0x4a: {  	s19 =	rddreg [dreg:$0xf];
	[sflag:s7] =	ssyncadd.s32 $0xFFFFF000  }
0x4b: {  	[spmem:s19] =	stream.linear.scatter [tilespmem:s8], [sflag:$0x3], $0x1000, $0x38;
	[tilespmem:$0x1F800] =	vst v63  }
0x4c: {  	_ =	swait.ge [sflag:s7], $0x1000  }
0x4d: {  	[sflag:s7] =	ssyncset.done $0x0  }
0x4e: {  	s20 =	rddreg [dreg:$0x10];
	[sflag:s7] =	ssyncadd.s32 $0xFFFFF000  }
0x4f: {  	[spmem:s20] =	stream.linear.scatter [tilespmem:s8], [sflag:$0x3], $0x1000, $0x38;
	[tilespmem:$0x1F800] =	vst v63  }
0x50: {  	_ =	swait.ge [sflag:s7], $0x1000  }
0x51: {  	[sflag:s7] =	ssyncset.done $0x0  }
0x52: {  	s21 =	rddreg [dreg:$0x11];
	[sflag:s7] =	ssyncadd.s32 $0xFFFFF000  }
0x53: {  	[spmem:s21] =	stream.linear.scatter [tilespmem:s8], [sflag:$0x3], $0x1000, $0x38;
	[tilespmem:$0x1F800] =	vst v63  }
0x54: {  	_ =	swait.ge [sflag:s7], $0x1000  }
0x55: {  	[sflag:s7] =	ssyncset.done $0x0  }
0x56: {  	s22 =	rddreg [dreg:$0x12];
	[sflag:s7] =	ssyncadd.s32 $0xFFFFF000  }
0x57: {  	[spmem:s22] =	stream.linear.scatter [tilespmem:s8], [sflag:$0x3], $0x1000, $0x38;
	[tilespmem:$0x1F800] =	vst v63  }
0x58: {  	_ =	swait.ge [sflag:s7], $0x1000  }
0x59: {  	[sflag:s7] =	ssyncset.done $0x0  }
0x5a: {  	s23 =	rddreg [dreg:$0x13];
	[sflag:s7] =	ssyncadd.s32 $0xFFFFF000  }
0x5b: {  	[spmem:s23] =	stream.linear.scatter [tilespmem:s8], [sflag:$0x3], $0x1000, $0x38;
	[tilespmem:$0x1F800] =	vst v63  }
0x5c: {  	_ =	swait.ge [sflag:s7], $0x1000  }
0x5d: {  	[sflag:s7] =	ssyncset.done $0x0  }
0x5e: {  	[sflag:s7] =	ssyncadd.s32 $0xFFFFF000  }
0x5f: {  	[spmem:s24] =	stream.linear.scatter [tilespmem:s8], [sflag:$0x3], $0x1000, $0x38;
	[tilespmem:$0x1F800] =	vst v63  }
0x60: {  	_ =	swait.ge [sflag:s7], $0x1000  }
0x61: {  	[sflag:s7] =	ssyncset.done $0x0  }
0x62: {  	[sflag:s7] =	ssyncadd.s32 $0xFFFFF000  }
0x63: {  	[spmem:s25] =	stream.linear.scatter [tilespmem:s8], [sflag:$0x3], $0x1000, $0x38;
	[tilespmem:$0x1F800] =	vst v63  }
0x64: {  	_ =	swait.ge [sflag:s7], $0x1000  }
0x65: {  	[sflag:s7] =	ssyncset.done $0x0  }
0x66: {  	[sflag:s7] =	ssyncadd.s32 $0xFFFFF000  }
0x67: {  	[spmem:s26] =	stream.linear.scatter [tilespmem:s8], [sflag:$0x3], $0x1000, $0x38;
	[tilespmem:$0x1F800] =	vst v63  }
0x68: {  	_ =	swait.ge [sflag:s7], $0x1000  }
0x69: {  	[sflag:s7] =	ssyncset.done $0x0  }
0x6a: {  	[sflag:s7] =	ssyncadd.s32 $0xFFFFF000  }
0x6b: {  	[spmem:s28] =	stream.linear.scatter [tilespmem:s8], [sflag:$0x3], $0x1000, $0x38;
	[tilespmem:$0x1F800] =	vst v63  }
0x6c: {  	_ =	swait.ge [sflag:s7], $0x1000  }
0x6d: {  	[sflag:s7] =	ssyncset.done $0x0  }
0x6e: {  	[sflag:s7] =	ssyncadd.s32 $0xFFFFF000  }
0x6f: {  	[spmem:s29] =	stream.linear.scatter [tilespmem:s8], [sflag:$0x3], $0x1000, $0x38;
	[tilespmem:$0x1F800] =	vst v63  }
0x70: {  	_ =	swait.ge [sflag:s7], $0x1000  }
0x71: {  	[sflag:s7] =	ssyncset.done $0x0  }
0x72: {  	[sflag:s7] =	ssyncadd.s32 $0xFFFFF000  }
0x73: {  	[spmem:s30] =	stream.linear.scatter [tilespmem:s8], [sflag:$0x3], $0x1000, $0x38;
	[tilespmem:$0x1F800] =	vst v63  }
0x74: {  	_ =	swait.ge [sflag:s7], $0x1000  }
0x75: {  	[sflag:s7] =	ssyncset.done $0x0  }
0x76: {  	[sflag:s7] =	ssyncadd.s32 $0xFFFFF000  }
0x77: {  	[spmem:s31] =	stream.linear.scatter [tilespmem:s8], [sflag:$0x3], $0x1000, $0x38;
	[tilespmem:$0x1F800] =	vst v63  }
0x78: {  	_ =	swait.ge [sflag:s7], $0x1000  }
0x79: {  	[sflag:s7] =	ssyncset.done $0x0  }
0x7a: {  	[sflag:s7] =	ssyncadd.s32 $0xFFFFF000  }
0x7b: {  	[spmem:s0] =	stream.linear.scatter [tilespmem:s8], [sflag:$0x3], $0x1000, $0x38;
	[tilespmem:$0x1F800] =	vst v63  }
0x7c: {  	_ =	swait.ge [sflag:s7], $0x1000  }
0x7d: {  	[sflag:s7] =	ssyncset.done $0x0  }
0x7e: {  	s14 =	simm.s32 $0x40;
	s15 =	simm.s32 $0x0;
	[sflag:s7] =	ssyncadd.s32 $0xFFFFF000  }
.LBB2_4:
0x7f: {  	p0 =	sne.s32 s14, $0x9FC0;
	[tilespmem:s15+$0x1D000] =	vst v0;
	s15 =	smov.u32 s14;
	s14 =	sadd.s32 $0x40, s14  }
.Ltmp1:
0x80: {  	(pc) =	sbr.rel @p0 .LBB2_4-.Ltmp1, $2  }
0x81: {  	_ =	sdelay $0x2  }
0x82: {  	s15 =	sshra.s32 s15, $0x2  }
0x83: {  	[tilespmem:s15+$0x1D000] =	vst v0;
	s14 =	simm.s32 $0x1  }
0x84: {  	s15 =	simm.s32 $0x200;
	s16 =	simm.s32 $0x0;
	[bflag:$0x0] =	sbarrier.arrive $0xFFFF  }
0x85: {  	[tilespmem:s8], [sflag:$0x1] =	stream.indirect.gather [hbm4b:s4+s10], $0x80, s2, s10, $0xb8;
	[tilespmem:$0x1F800] =	vst v63  }
.LBB2_6:
0x86: {  	s17 =	sadd.s32 $0xFFFFFFFF, s14  }
0x87: {  	s18 =	sand.u32 $0x7, s17;
	p0 =	sgt.u32 s17, $0x47  }
0x88: {  	p1 =	sne.s32 @!p0 s18, $0x0  }
0x89: {  	s17 =	sshrl.u32 s17, $0x3;
	p0 =	por p1, p0  }
0x8a: {  	s19 =	sshll.u32 @!p0 s17, $0xA  }
0x8b: {  	s19 =	sadd.s32 @!p0 $0x400, s19  }
0x8c: {  	s20 =	sadd.s32 @!p0 s6, s19  }
0x8d: {  	s19 =	sand.u32 @!p0 $0x400, s19;
	s20 =	sshrl.u32 @!p0 s20, $0x3  }
0x8e: {  	s23 =	simm.s32 @!p0 $0x0;
	s21 =	sor.u32 @!p0 $0x14000, s19;
	s22 =	sadd.s32 @!p0 s1, s20  }
0x8f: {  	[tilespmem:s21], [sflag:$0x2] =	stream.linear.gather @!p0 [hbm4b:s22+s23], $0x400, $0x38;
	[tilespmem:$0x1F800] =	vst v63  }
0x90: {  	s19 =	sor.u32 @!p0 $0x14800, s19;
	s20 =	sadd.s32 @!p0 s5, s20  }
0x91: {  	[tilespmem:s19], [sflag:$0x2] =	stream.linear.gather @!p0 [hbm4b:s20+s23], $0x400, $0x38;
	[tilespmem:$0x1F800] =	vst v63  }
0x92: {  	s17 =	sshll.u32 s17, $0xA;
	_ =	swait.ge [sflag:s11], $0x4000  }
0x93: {  	s18 =	sshll.u32 s18, $0x7;
	s17 =	sand.u32 $0x400, s17;
	[sflag:s11] =	ssyncset.done $0x0  }
0x94: {  	s17 =	sor.u32 s18, s17;
	[sflag:s11] =	ssyncadd.s32 $0xFFFFC000  }
0x95: {  	v2 =	vld [tilespmem:s17+$0x14800];
	_ =	sdelay $0x7  }
0x96: {  	[tilespmem:v2+s12+$0x0] =	vst.idx.add.f32.msk $0xffff, v1  }
0x97: {  	v2 =	vld [tilespmem:s17+$0x14810];
	_ =	sdelay $0x7  }
0x98: {  	[tilespmem:v2+s12+$0x0] =	vst.idx.add.f32.msk $0xffff, v1  }
0x99: {  	v2 =	vld [tilespmem:s17+$0x14820];
	_ =	sdelay $0x7  }
0x9a: {  	[tilespmem:v2+s12+$0x0] =	vst.idx.add.f32.msk $0xffff, v1  }
0x9b: {  	v2 =	vld [tilespmem:s17+$0x14830];
	_ =	sdelay $0x7  }
0x9c: {  	[tilespmem:v2+s12+$0x0] =	vst.idx.add.f32.msk $0xffff, v1  }
0x9d: {  	v2 =	vld [tilespmem:s17+$0x14840];
	_ =	sdelay $0x7  }
0x9e: {  	[tilespmem:v2+s12+$0x0] =	vst.idx.add.f32.msk $0xffff, v1  }
0x9f: {  	v2 =	vld [tilespmem:s17+$0x14850];
	_ =	sdelay $0x7  }
0xa0: {  	[tilespmem:v2+s12+$0x0] =	vst.idx.add.f32.msk $0xffff, v1  }
0xa1: {  	v2 =	vld [tilespmem:s17+$0x14860];
	_ =	sdelay $0x7  }
0xa2: {  	[tilespmem:v2+s12+$0x0] =	vst.idx.add.f32.msk $0xffff, v1  }
0xa3: {  	v2 =	vld [tilespmem:s17+$0x14870];
	_ =	sdelay $0x5  }
0xa4: {  	s20 =	sand.u32 $0x7, s14  }
0xa5: {  	p0 =	sne.s32 s20, $0x0  }
0xa6: {  	s18 =	simm.s32 @!p0 $0x2;
	[tilespmem:v2+s12+$0x0] =	vst.idx.add.f32.msk $0xffff, v1  }
0xa7: {  	_ =	swait.ge @!p0 [sflag:s18], $0x400  }
0xa8: {  	[sflag:s18] =	ssyncset.done @!p0 $0x0  }
0xa9: {  	[sflag:s18] =	ssyncadd.s32 @!p0 $0xFFFFFC00  }
0xaa: {  	_ =	swait.ge @!p0 [sflag:s18], $0x400  }
0xab: {  	s14 =	sadd.s32 $0x1, s14;
	[sflag:s18] =	ssyncset.done @!p0 $0x0  }
0xac: {  	[sflag:s18] =	ssyncadd.s32 @!p0 $0xFFFFFC00;
	p0 =	sne.s32 s14, $0x50  }
.Ltmp2:
0xad: {  	s21 =	sand.u32 $0x1000, s15;
	(pc) =	sbr.rel @p0 .LBB2_6-.Ltmp2, $4  }
0xae: {  	s22 =	sxor.u32 $0xFFFFFFFF, s16;
	s19 =	sshrl.u32 s21, $0x2;
	s17 =	sshll.u32 s20, $0x7  }
0xaf: {  	s15 =	sadd.s32 $0x200, s15;
	s20 =	sand.u32 $0x4000, s22;
	s17 =	sor.u32 s17, s19  }
0xb0: {  	s16 =	sadd.s32 $0x4000, s16;
	s23 =	sadd.s32 $0x15000, s20;
	s17 =	sor.u32 $0x14000, s17  }
0xb1: {  	[tilespmem:s23], [sflag:$0x1] =	stream.indirect.gather [hbm4b:s4+s10], $0x80, s17, s10, $0xb8;
	[tilespmem:$0x1F800] =	vst v63  }
0xb2: {  	_ =	swait.ge [sflag:s11], $0x4000  }
0xb3: {  	[sflag:s11] =	ssyncset.done $0x0  }
0xb4: {  	[sflag:s11] =	ssyncadd.s32 $0xFFFFC000  }
0xb5: {  	v2 =	vld [tilespmem:$0x14F80];
	_ =	sdelay $0x7  }
0xb6: {  	[tilespmem:v2+s12+$0x0] =	vst.idx.add.f32.msk $0xffff, v1  }
0xb7: {  	v2 =	vld [tilespmem:$0x14F90];
	_ =	sdelay $0x7  }
0xb8: {  	[tilespmem:v2+s12+$0x0] =	vst.idx.add.f32.msk $0xffff, v1  }
0xb9: {  	v2 =	vld [tilespmem:$0x14FA0];
	_ =	sdelay $0x7  }
0xba: {  	[tilespmem:v2+s12+$0x0] =	vst.idx.add.f32.msk $0xffff, v1  }
0xbb: {  	v2 =	vld [tilespmem:$0x14FB0];
	_ =	sdelay $0x7  }
0xbc: {  	[tilespmem:v2+s12+$0x0] =	vst.idx.add.f32.msk $0xffff, v1  }
0xbd: {  	v2 =	vld [tilespmem:$0x14FC0];
	_ =	sdelay $0x7  }
0xbe: {  	[tilespmem:v2+s12+$0x0] =	vst.idx.add.f32.msk $0xffff, v1  }
0xbf: {  	v2 =	vld [tilespmem:$0x14FD0];
	_ =	sdelay $0x7  }
0xc0: {  	[tilespmem:v2+s12+$0x0] =	vst.idx.add.f32.msk $0xffff, v1  }
0xc1: {  	v2 =	vld [tilespmem:$0x14FE0];
	_ =	sdelay $0x7  }
0xc2: {  	[tilespmem:v2+s12+$0x0] =	vst.idx.add.f32.msk $0xffff, v1  }
0xc3: {  	v2 =	vld [tilespmem:$0x14FF0];
	_ =	sdelay $0x7  }
0xc4: {  	s15 =	simm.s32 $0x400;
	s14 =	rddreg [dreg:$0x6];
	[tilespmem:v2+s12+$0x0] =	vst.idx.add.f32.msk $0xffff, v1  }
0xc5: {  	[hbm4b:s14+s10] =	stream.strided.scatter [tilespmem:s12], [sflag:$0x3], $0x2800, s15, s10, $0x38;
	[tilespmem:$0x1F800] =	vst v63  }
0xc6: {  	_ =	swait.ge [sflag:s7], $0x2800  }
0xc7: {  	[sflag:s7] =	ssyncset.done $0x0  }
0xc8: {  	s21 =	stileid.u32;
	[sflag:s7] =	ssyncadd.s32 $0xFFFFD800  }
0xc9: {  	s14 =	sshll.u32 s21, $0x6;
	[bflag:$0x0] =	sbarrier.arrive $0xFFFF  }
0xca: {  	s22 =	sshrl.u32 s9, $0x3;
	s14 =	sor.u32 $0x1C03, s14;
	s16 =	rddreg [dreg:$0x7]  }
0xcb: {  	[hbm:s16], [sflag:s14] =	dma.local [spmem:s22], $0x2800  }
0xcc: {  	_ =	swait.ge [sflag:s7], $0x2800  }
0xcd: {  	s13 =	sadd.s32 $0x1, s13;
	s23 =	rddreg [dreg:$0x8]  }
0xce: {  	p0 =	sne.s32 s13, s23  }
.Ltmp3:
0xcf: {  	_ = 	snop;
	(pc) =	sbr.rel @p0 .LBB2_1-.Ltmp3, $3  }
0xd0: {  	_ =	sdelay $0x1  }
0xd1: {  	[sflag:s7] =	ssyncset.done $0x0  }
0xd2: {  	[sflag:s7] =	ssyncadd.s32 $0xFFFFD800  }
0xd3: {  	_ =	sfence.sel $0x180000  }
0xd4: {  	[bflag:$0x0] =	sbarrier.arrive $0xFFFF  }
0xd5: {  	_ =	strace $0x90000047  }
0xd6: {  	s0 =	stileid.u32;
	[bflag:$0x2] =	sbarrier.arrive $0xFFFF  }
0xd7: {  	p0 =	sne.s32 s0, $0x0;
	s0 =	rddreg [dreg:$0x3]  }
0xd8: {  	s0 =	sadd.s32 @!p0 $0x100000, s0  }
0xd9: {  	[sflag:s0] =	ssyncadd.tile.s32 @!p0 $0x1;
	_ =	shalt  }
.Lfunc_end2:
_tile_overlayer_lowered:
.L_overlay_start_2:
0xda: {  	(tag) =	ssettag $0x2  }
0xdb: {  	s0 =	rddreg [dreg:$0x0];
	s2 =	stileid.u32  }
0xdc: {  	s1 =	rddreg [dreg:$0x1];
	p0 =	sne.s32 s2, $0x0  }
0xdd: {  	s3 =	rddreg [dreg:$0x2];
	[bflag:$0x3] =	sbarrier.arrive $0xFFFF;
	s2 =	simm.s32 @!p0 $0x1C03  }
0xde: {  	[timem:s3], [sflag:s2] =	dma.local @!p0 [hbm:s0], s1  }
0xdf: {  	s0 =	simm.s32 @!p0 $0x3  }
0xe0: {  	_ =	swait.ge @!p0 [sflag:s0], s1  }
0xe1: {  	s1 =	ssub.s32 @!p0 $0x0, s1;
	[sflag:s0] =	ssyncset.done @!p0 $0x0  }
0xe2: {  	[sflag:s0] =	ssyncadd.s32 @!p0 s1  }
0xe3: {  	[bflag:$0x3] =	sbarrier.arrive $0xFFFF  }
0xe4: {  	_ =	shalt  }

// kernel: kernel.9.cloned.1.call-start
scs
__scs_entry_jumppad:
0x0: {  	(pc) =	sbr.rel $0x88, $3  }
0x1: {  	(tag) =	ssettag $0x0;
	lr =	simm.s32 $0x1  }
0x2: {  	[smem:$0x3F9D] =	sst lr;
	_ =	strace $0xD0000000  }
0x3: {  	_ = 	snop  }
0x4: {  	_ = 	snop  }
0x5: {  	_ = 	snop  }
0x6: {  	_ = 	snop  }
0x7: {  	_ = 	snop  }
__scs_overlays_trampoline_lowered:
0x8: {  	[smem:$0x3FAC] =	sst s0  }
0x9: {  	[smem:$0x3FAD] =	sst s1  }
0xa: {  	[smem:$0x3FAE] =	sst s2  }
0xb: {  	[smem:$0x3FAF] =	sst s3  }
0xc: {  	[smem:$0x3FB0] =	sst s4  }
0xd: {  	[smem:$0x3FB1] =	sst s5  }
0xe: {  	[smem:$0x3FB2] =	sst s6  }
0xf: {  	[smem:$0x3FB3] =	sst s7  }
0x10: {  	[smem:$0x3FB4] =	sst s8  }
0x11: {  	[smem:$0x3FB5] =	sst s9;
	s0 =	simm.s32 @!p0 $0x0  }
0x12: {  	s1 =	sld [smem:$0x3F9B];
	s0 =	simm.s32 @p0 $0x1  }
0x13: {  	[smem:$0x3FB6] =	sst s0;
	s0 =	simm.s32 @!p1 $0x0  }
0x14: {  	s2 =	sld [smem:$0x3F9A];
	s0 =	simm.s32 @p1 $0x1  }
0x15: {  	[smem:$0x3FB7] =	sst s0;
	s0 =	simm.s32 @!p2 $0x0  }
0x16: {  	s3 =	sld [smem:$0x3FDB];
	s0 =	simm.s32 @p2 $0x1  }
0x17: {  	s4 =	simm.s32 $0x1BF5;
	[smem:$0x3FB9] =	sst s0  }
0x18: {  	s0 =	sld [smem:$0x3F9C];
	_ =	swait.ge [sflag:s4], $0x0  }
0x19: {  	s7 =	sld [smem:$0x3F9D]  }
0x1a: {  	s8 =	sadd.s32 $0xFFFFE003, lr  }
0x1b: {  	s9 =	sadd.s32 $0xFFFFFEF7, lr;
	s5 =	simm.s32 $0xFFFFFFFF;
	p2 =	slt.u32 s8, $0xFFFFF086  }
0x1c: {  	p1 =	slt.u32 s9, $0xF7A;
	s5 =	simm.s32 @!p2 $0x0  }
0x1d: {  	s5 =	simm.s32 @p1 $0x1;
	p0 =	seq.s32 s7, s2  }
0x1e: {  	s7 =	smul.u32 @!p0 $0xF7A, s2;
	p2 =	seq.s32 @!p0 s5, $0x0  }
0x1f: {  	s9 =	smul.u32 $0xF7A, s1;
	s8 =	simm.s32 @!p0 $0x1BF5;
	p2 =	por !p2, p0  }
0x20: {  	[sflag:s8] =	ssyncset.s32 @!p0 $0xFFFFF086;
	s6 =	sadd.s32 @!p0 s3, s7;
	s7 =	simm.s32 @!p0 $0x108  }
0x21: {  	s3 =	sadd.s32 s3, s9;
	s6 =	sadd.s32 @!p0 $0x88, s6;
	s7 =	simm.s32 @p2 $0x1082  }
0x22: {  	[simem:s7], [sflag:s8] =	dma.local @!p0 [hbm:s6], $0xF7A  }
0x23: {  	s9 =	sor.u32 $0xD0000000, s2;
	s6 =	simm.s32 $0x108;
	_ =	swait.ge @!p0 [sflag:s8], $0x0  }
0x24: {  	s3 =	sadd.s32 $0x88, s3;
	s6 =	simm.s32 @!p1 $0x1082;
	[sflag:s4] =	ssyncset.s32 $0xFFFFF086  }
0x25: {  	[simem:s6], [sflag:s4] =	dma.local [hbm:s3], $0xF7A  }
0x26: {  	[smem:$0x3F9D] =	sst s1;
	(tag) =	ssettag s2;
	_ =	strace s9  }
0x27: {  	s1 =	sld [smem:$0x3FAD]  }
0x28: {  	s2 =	sld [smem:$0x3FAE]  }
0x29: {  	s4 =	sld [smem:$0x3FB0]  }
0x2a: {  	p0 =	seq.s32 s5, $0x0;
	s5 =	sld [smem:$0x3FB1]  }
0x2b: {  	s6 =	sld [smem:$0x3FB2]  }
0x2c: {  	s7 =	sld [smem:$0x3FB3]  }
0x2d: {  	s3 =	simm.s32 $0x108;
	s8 =	sld [smem:$0x3FB4]  }
0x2e: {  	s3 =	simm.s32 @!p0 $0x1082;
	s9 =	sld [smem:$0x3FB5]  }
0x2f: {  	lr =	sadd.s32 s0, s3;
	s0 =	sld [smem:$0x3FAC]  }
0x30: {  	s3 =	sld [smem:$0x3FAF]  }
0x31: {  	[smem:$0x3FB8] =	sst s10  }
0x32: {  	s10 =	sld [smem:$0x3FB6];
	_ =	sdelay $0x3  }
0x33: {  	p0 =	seq.s32 s10, $0x1;
	s10 =	sld [smem:$0x3FB8];
	_ =	sdelay $0x3  }
0x34: {  	[smem:$0x3FB8] =	sst s10  }
0x35: {  	s10 =	sld [smem:$0x3FB7];
	_ =	sdelay $0x3  }
0x36: {  	p1 =	seq.s32 s10, $0x1;
	s10 =	sld [smem:$0x3FB8];
	_ =	sdelay $0x3  }
0x37: {  	[smem:$0x3FB8] =	sst s10  }
0x38: {  	s10 =	sld [smem:$0x3FB9]  }
0x39: {  	_ = 	snop;
	(pc) =	sbr.ind lr, $3  }
0x3a: {  	_ = 	snop  }
0x3b: {  	_ = 	snop  }
0x3c: {  	p2 =	seq.s32 s10, $0x1;
	s10 =	sld [smem:$0x3FB8]  }
0x3d: {  	_ =	shalt  }
0x3e: {  	_ =	shalt  }
0x3f: {  	_ =	shalt  }
0x40: {  	_ =	shalt  }
0x41: {  	_ =	shalt  }
0x42: {  	_ =	shalt  }
0x43: {  	_ =	shalt  }
0x44: {  	_ =	shalt  }
0x45: {  	_ =	shalt  }
0x46: {  	_ =	shalt  }
0x47: {  	_ =	shalt  }
0x48: {  	_ =	shalt  }
0x49: {  	_ =	shalt  }
0x4a: {  	_ =	shalt  }
0x4b: {  	_ =	shalt  }
0x4c: {  	_ =	shalt  }
0x4d: {  	_ =	shalt  }
0x4e: {  	_ =	shalt  }
0x4f: {  	_ =	shalt  }
0x50: {  	_ =	shalt  }
0x51: {  	_ =	shalt  }
0x52: {  	_ =	shalt  }
0x53: {  	_ =	shalt  }
0x54: {  	_ =	shalt  }
0x55: {  	_ =	shalt  }
0x56: {  	_ =	shalt  }
0x57: {  	_ =	shalt  }
0x58: {  	_ =	shalt  }
0x59: {  	_ =	shalt  }
0x5a: {  	_ =	shalt  }
0x5b: {  	_ =	shalt  }
0x5c: {  	_ =	shalt  }
0x5d: {  	_ =	shalt  }
0x5e: {  	_ =	shalt  }
0x5f: {  	_ =	shalt  }
0x60: {  	_ =	shalt  }
0x61: {  	_ =	shalt  }
0x62: {  	_ =	shalt  }
0x63: {  	_ =	shalt  }
0x64: {  	_ =	shalt  }
0x65: {  	_ =	shalt  }
0x66: {  	_ =	shalt  }
0x67: {  	_ =	shalt  }
0x68: {  	_ =	shalt  }
0x69: {  	_ =	shalt  }
0x6a: {  	_ =	shalt  }
0x6b: {  	_ =	shalt  }
0x6c: {  	_ =	shalt  }
0x6d: {  	_ =	shalt  }
0x6e: {  	_ =	shalt  }
0x6f: {  	_ =	shalt  }
0x70: {  	_ =	shalt  }
0x71: {  	_ =	shalt  }
0x72: {  	_ =	shalt  }
0x73: {  	_ =	shalt  }
0x74: {  	_ =	shalt  }
0x75: {  	_ =	shalt  }
0x76: {  	_ =	shalt  }
0x77: {  	_ =	shalt  }
0x78: {  	_ =	shalt  }
0x79: {  	_ =	shalt  }
0x7a: {  	_ =	shalt  }
0x7b: {  	_ =	shalt  }
0x7c: {  	_ =	shalt  }
0x7d: {  	_ =	shalt  }
0x7e: {  	_ =	shalt  }
0x7f: {  	_ =	shalt  }
0x80: {  	_ =	shalt  }
0x81: {  	_ =	shalt  }
0x82: {  	_ =	shalt  }
0x83: {  	_ =	shalt  }
0x84: {  	_ =	shalt  }
0x85: {  	_ =	shalt  }
0x86: {  	_ =	shalt  }
0x87: {  	_ =	shalt  }
.Lfunc_end0:
.L_simem_size_0:
called_computation.1_lowered:
.L_overlay_start_0:
0x88: {  	s2 =	sld [smem:$0x3FD9]  }
0x89: {  	s3 =	sld [smem:$0x3FFE];
	_ =	sdelay $0x1  }
0x8a: {  	s1 =	srdreg.scid  }
0x8b: {  	s0 =	sand.u32 $0x1, s1  }
0x8c: {  	s17 =	sshll.u32 s0, $0xA;
	s2 =	sadd.s32 s3, s2  }
0x8d: {  	s2 =	sadd.s32 s2, s17  }
0x8e: {  	[smem:$0x3FC4] =	sst s2  }
0x8f: {  	_ = 	snop  }
0x90: {  	s2 =	sld [smem:$0x3FD0];
	(tm) =	ssettm $0x1  }
0x91: {  	s18 =	sld [smem:$0x3FFB];
	_ =	sdelay $0x3  }
0x92: {  	_ =	strace s18  }
0x93: {  	s3 =	sld [smem:$0x3FFC];
	_ =	sdelay $0x3  }
0x94: {  	_ =	strace s3  }
0x95: {  	s3 =	sld [smem:$0x3FFD];
	_ =	sdelay $0x3  }
0x96: {  	_ =	strace s3  }
0x97: {  	_ =	strace $0x8FFFFFFF  }
0x98: {  	s19 =	sld [smem:$0x3FDB];
	_ =	sdelay $0x1  }
0x99: {  	s4 =	simm.s32 $_scs_section_size  }
0x9a: {  	s5 =	simm.s32 $_size__tile_overlayer_lowered;
	s6 =	simm.s32 $_tile_overlayer_lowered  }
0x9b: {  	s22 =	simm.s32 $0x1BFF;
	s21 =	sshll.u32 s6, $0x1;
	s3 =	sadd.s32 s4, s19  }
0x9c: {  	s7 =	simm.s32 $0x0;
	s20 =	sshll.u32 s5, $0x1;
	s5 =	sadd.s32 s21, s3  }
0x9d: {  	[timem:s7], [sflag:s22] =	dma.local [hbm:s5], s20  }
0x9e: {  	_ =	swait.ge [sflag:s22], s20  }
0x9f: {  	s4 =	ssub.s32 $0x0, s20;
	[sflag:s22] =	ssyncset.done $0x0  }
0xa0: {  	[sflag:s22] =	ssyncadd.s32 s4;
	_ =	sdelay $0x1  }
0xa1: {  	s23 =	simm.s32 $0x1B8B  }
0xa2: {  	_ =	swait.ge [sflag:s23], $0x1  }
0xa3: {  	[sflag:s23] =	ssyncset.done $0x0  }
0xa4: {  	s25 =	simm.s32 $0x1B8E;
	s24 =	sld [smem:$0x3FFE];
	[sflag:s23] =	ssyncadd.s32 $0xFFFFFFFF  }
0xa5: {  	s26 =	simm.s32 $execute0_lowered;
	[smem:$0x3FD2] =	sst s25  }
0xa6: {  	s5 =	sshll.u32 s26, $0x1;
	_ =	strace $0x80000049;
	[dreg:$0x1] =	wrdreg $0xFFFFFFFF  }
0xa7: {  	s28 =	simm.s32 $_size_execute0_lowered;
	s3 =	sadd.s32 s3, s5;
	[dreg:$0x0] =	wrdreg $0x0  }
0xa8: {  	s5 =	sshll.u32 s28, $0x1;
	[dreg:$0x2] =	wrdreg s3  }
0xa9: {  	[dreg:$0x3] =	wrdreg s5  }
0xaa: {  	[dreg:$0x4] =	wrdreg $0xC0  }
0xab: {  	_ =	task [dreg:s7], $0x5FFFF  }
0xac: {  	[dreg:$0x1] =	wrdreg $0xFFFFFFFF  }
0xad: {  	[dreg:$0x0] =	wrdreg $0x60  }
0xae: {  	[dreg:$0x2] =	wrdreg s24  }
0xaf: {  	[dreg:$0x3] =	wrdreg s2  }
0xb0: {  	[dreg:$0x4] =	wrdreg $0x0  }
0xb1: {  	[dreg:$0x5] =	wrdreg $0x9  }
0xb2: {  	_ =	task.clear_ibuf [dreg:s7], $0x6FFFF;
	_ =	strace $0x90000049  }
0xb3: {  	s29 =	simm.s32 $0x9;
	_ =	strace $0x8000004B  }
0xb4: {  	_ =	swait.ge [sflag:s29], $0x1  }
0xb5: {  	[sflag:s29] =	ssyncadd.s32 $0xFFFFFFFF  }
0xb6: {  	_ =	strace $0x9000004B  }
0xb7: {  	_ =	sfence  }
0xb8: {  	s30 =	sld [smem:$0x0];
	_ =	sdelay $0x2  }
0xb9: {  	s31 =	sshll.u32 s1, $0xD;
	s1 =	sshrl.u32 s1, $0x2  }
0xba: {  	s3 =	sand.u32 $0x4000, s31;
	s1 =	sadd.s32 s1, s30  }
0xbb: {  	s0 =	sor.u32 s3, s0;
	s1 =	sshll.u32 s1, $0x11  }
0xbc: {  	s0 =	sor.u32 s1, s0  }
0xbd: {  	s0 =	sadd.s32 $0x8F2B, s0  }
0xbe: {  	[sflag:s0] =	ssyncadd.remote.s32 $0x1  }
0xbf: {  	_ =	sfence.sel $0xFFFF  }
0xc0: {  	[dreg:$0x0] =	wrdreg $0xFFFFFFFF;
	(pc) =	sbr.abs _section_cstart, $3  }
0xc1: {  	[dreg:$0x1] =	wrdreg $0xFFFFFFFF  }
0xc2: {  	_ =	task.clear_ibuf [dreg:s7], $0x2FFFF;
	_ =	strace $0x9FFFFFFF  }
0xc3: {  	(tm) =	ssettm $0x7FFFFFFF  }
tec
execute0_lowered:
.L_overlay_start_1:
0x0: {  	(tag) =	ssettag $0x1  }
0x1: {  	s0 =	rddreg [dreg:$0x0]  }
0x2: {  	s1 =	rddreg [dreg:$0x1]  }
0x3: {  	s4 =	rddreg [dreg:$0x2]  }
0x4: {  	s2 =	simm.s32 $0x0;
	s3 =	srdreg.scid;
	s12 =	stileid.u32  }
0x5: {  	[smem:$0x7FF] =	sst s2;
	s5 =	sand.u32 $0x1, s3;
	s7 =	smul.u32 $0x14000, s12  }
0x6: {  	s3 =	sadd.s32 $0xB600, s0;
	s11 =	smul.u32 $0x50000, s12;
	s8 =	sshll.u32 s5, $0x4  }
0x7: {  	s6 =	smul.u32 $0x140000, s5;
	s26 =	ssub.s32 $0x2, s5;
	s8 =	sor.u32 s12, s8  }
0x8: {  	s9 =	sadd.s32 $0x1600, s0;
	s10 =	sshrl.u32 s26, $0x1;
	s8 =	smul.u32 $0x2800, s8  }
0x9: {  	_ =	strace $0x8000004A;
	s6 =	sadd.s32 s7, s6;
	s7 =	ssub.s32 s26, s10  }
0xa: {  	s11 =	sshrl.u32 s11, $0x2;
	s13 =	smax.u32 s7, $0x1;
	s10 =	sshrl.u32 s8, $0x3  }
0xb: {  	s6 =	sshrl.u32 s6, $0x3;
	[dreg:$0x7] =	wrdreg s13;
	s8 =	sadd.s32 s1, s10  }
0xc: {  	s0 =	sadd.s32 s6, s0;
	s6 =	sadd.s32 s9, s10;
	[dreg:$0x4] =	wrdreg s8  }
0xd: {  	s0 =	sadd.s32 $0x33600, s0;
	[dreg:$0x5] =	wrdreg s6;
	s6 =	sadd.s32 s11, s4  }
0xe: {  	[dreg:$0x6] =	wrdreg s0;
	s14 =	sadd.s32 $0x1000, s6  }
0xf: {  	s15 =	sadd.s32 $0x2000, s6;
	[dreg:$0x8] =	wrdreg s14  }
0x10: {  	s4 =	sadd.s32 $0x3000, s6;
	[dreg:$0x9] =	wrdreg s15  }
0x11: {  	s31 =	simm.s32 $0x14000;
	s17 =	sadd.s32 $0x4000, s6;
	[dreg:$0xa] =	wrdreg s4  }
0x12: {  	s18 =	smul.u32 $0x2800, s12;
	s19 =	sadd.s32 $0x5000, s6;
	[dreg:$0xb] =	wrdreg s17  }
0x13: {  	s16 =	smul.u32 $0x28000, s5;
	s20 =	sadd.s32 $0x6000, s6;
	[dreg:$0xc] =	wrdreg s19  }
0x14: {  	s5 =	simm.s32 $0x1;
	s21 =	sadd.s32 $0x7000, s6;
	[dreg:$0xd] =	wrdreg s20  }
0x15: {  	s7 =	simm.s32 $0x0;
	s22 =	sadd.s32 $0x8000, s6;
	[dreg:$0xe] =	wrdreg s21  }
0x16: {  	s0 =	sadd.s32 s18, s16;
	s23 =	sadd.s32 $0x9000, s6;
	[dreg:$0xf] =	wrdreg s22  }
0x17: {  	s24 =	sadd.s32 $0xA000, s6;
	s25 =	sadd.s32 $0xB000, s6;
	[dreg:$0x10] =	wrdreg s23  }
0x18: {  	s0 =	sor.u32 $0x400, s0;
	s26 =	sadd.s32 $0xC000, s6;
	[dreg:$0x11] =	wrdreg s24  }
0x19: {  	s28 =	sadd.s32 $0x11000, s6;
	s29 =	sadd.s32 $0x12000, s6;
	[dreg:$0x12] =	wrdreg s25  }
0x1a: {  	s30 =	sadd.s32 $0x13000, s6;
	[dreg:$0x13] =	wrdreg s26;
	s21 =	sadd.s32 $0xD000, s6  }
0x1b: {  	s0 =	sshrl.u32 s0, $0x3;
	s22 =	sadd.s32 $0xE000, s6;
	s25 =	sadd.s32 $0xF000, s6  }
0x1c: {  	s26 =	sadd.s32 $0x10000, s6;
	s4 =	simm.s32 $0x80;
	s23 =	sadd.s32 s0, s9  }
0x1d: {  	v0 =	vimm.f32 $0.0e+00;
	s24 =	sadd.s32 s0, s1;
	s0 =	simm.s32 $0x3;
	s1 =	simm.s32 $0x15000  }
.LBB2_1:
0x1e: {  	s8 =	rddreg [dreg:$0x4]  }
0x1f: {  	[tilespmem:s31], [sflag:$0x3] =	stream.linear.gather [hbm4b:s8+s2], $0x400, $0x38;
	[tilespmem:$0x1D000] =	vst v63  }
0x20: {  	_ =	swait.ge [sflag:s0], $0x400  }
0x21: {  	[sflag:s0] =	ssyncset.done $0x0  }
0x22: {  	s9 =	simm.s32 $0x14800;
	s18 =	rddreg [dreg:$0x5];
	[sflag:s0] =	ssyncadd.s32 $0xFFFFFC00  }
0x23: {  	[tilespmem:s9], [sflag:$0x3] =	stream.linear.gather [hbm4b:s18+s2], $0x400, $0x38;
	[tilespmem:$0x1D000] =	vst v63  }
0x24: {  	s19 =	sand.u32 $0x3E00, s2;
	s20 =	sand.u32 $0x70, s2;
	_ =	swait.ge [sflag:s0], $0x400  }
0x25: {  	s10 =	sshrl.u32 s19, $0x2;
	s8 =	simm.s32 $0x40;
	[sflag:s0] =	ssyncset.done $0x0  }
0x26: {  	s10 =	sor.u32 s20, s10;
	s9 =	simm.s32 $0x0;
	[sflag:s0] =	ssyncadd.s32 $0xFFFFFC00  }
.LBB2_2:
0x27: {  	p0 =	sne.s32 s8, $0x3FC0  }
0x28: {  	[tilespmem:s10+$0x15000] =	vst v0;
	s9 =	sadd.s32 $0x10, s9;
	s10 =	smov.u32 s8;
	s8 =	sadd.s32 $0x40, s8  }
.Ltmp0:
0x29: {  	(pc) =	sbr.rel @p0 .LBB2_2-.Ltmp0, $4  }
0x2a: {  	_ = 	snop  }
0x2b: {  	s10 =	sand.u32 $0x3E00, s10  }
0x2c: {  	s11 =	sand.u32 $0x70, s9;
	s10 =	sshrl.u32 s10, $0x2  }
0x2d: {  	s10 =	sor.u32 s11, s10  }
0x2e: {  	[tilespmem:s10+$0x15000] =	vst v0  }
0x2f: {  	[spmem:s6] =	stream.linear.scatter [tilespmem:s1], [sflag:$0x3], $0x1000, $0x38;
	[tilespmem:$0x1D000] =	vst v63  }
0x30: {  	_ =	swait.ge [sflag:s0], $0x1000  }
0x31: {  	[sflag:s0] =	ssyncset.done $0x0  }
0x32: {  	s8 =	rddreg [dreg:$0x8];
	[sflag:s0] =	ssyncadd.s32 $0xFFFFF000  }
0x33: {  	[spmem:s8] =	stream.linear.scatter [tilespmem:s1], [sflag:$0x3], $0x1000, $0x38;
	[tilespmem:$0x1D000] =	vst v63  }
0x34: {  	_ =	swait.ge [sflag:s0], $0x1000  }
0x35: {  	[sflag:s0] =	ssyncset.done $0x0  }
0x36: {  	s20 =	rddreg [dreg:$0x9];
	[sflag:s0] =	ssyncadd.s32 $0xFFFFF000  }
0x37: {  	[spmem:s20] =	stream.linear.scatter [tilespmem:s1], [sflag:$0x3], $0x1000, $0x38;
	[tilespmem:$0x1D000] =	vst v63  }
0x38: {  	_ =	swait.ge [sflag:s0], $0x1000  }
0x39: {  	[sflag:s0] =	ssyncset.done $0x0  }
0x3a: {  	s9 =	rddreg [dreg:$0xa];
	[sflag:s0] =	ssyncadd.s32 $0xFFFFF000  }
0x3b: {  	[spmem:s9] =	stream.linear.scatter [tilespmem:s1], [sflag:$0x3], $0x1000, $0x38;
	[tilespmem:$0x1D000] =	vst v63  }
0x3c: {  	_ =	swait.ge [sflag:s0], $0x1000  }
0x3d: {  	[sflag:s0] =	ssyncset.done $0x0  }
0x3e: {  	s10 =	rddreg [dreg:$0xb];
	[sflag:s0] =	ssyncadd.s32 $0xFFFFF000  }
0x3f: {  	[spmem:s10] =	stream.linear.scatter [tilespmem:s1], [sflag:$0x3], $0x1000, $0x38;
	[tilespmem:$0x1D000] =	vst v63  }
0x40: {  	_ =	swait.ge [sflag:s0], $0x1000  }
0x41: {  	[sflag:s0] =	ssyncset.done $0x0  }
0x42: {  	s11 =	rddreg [dreg:$0xc];
	[sflag:s0] =	ssyncadd.s32 $0xFFFFF000  }
0x43: {  	[spmem:s11] =	stream.linear.scatter [tilespmem:s1], [sflag:$0x3], $0x1000, $0x38;
	[tilespmem:$0x1D000] =	vst v63  }
0x44: {  	_ =	swait.ge [sflag:s0], $0x1000  }
0x45: {  	[sflag:s0] =	ssyncset.done $0x0  }
0x46: {  	s12 =	rddreg [dreg:$0xd];
	[sflag:s0] =	ssyncadd.s32 $0xFFFFF000  }
0x47: {  	[spmem:s12] =	stream.linear.scatter [tilespmem:s1], [sflag:$0x3], $0x1000, $0x38;
	[tilespmem:$0x1D000] =	vst v63  }
0x48: {  	_ =	swait.ge [sflag:s0], $0x1000  }
0x49: {  	[sflag:s0] =	ssyncset.done $0x0  }
0x4a: {  	s13 =	rddreg [dreg:$0xe];
	[sflag:s0] =	ssyncadd.s32 $0xFFFFF000  }
0x4b: {  	[spmem:s13] =	stream.linear.scatter [tilespmem:s1], [sflag:$0x3], $0x1000, $0x38;
	[tilespmem:$0x1D000] =	vst v63  }
0x4c: {  	_ =	swait.ge [sflag:s0], $0x1000  }
0x4d: {  	[sflag:s0] =	ssyncset.done $0x0  }
0x4e: {  	s14 =	rddreg [dreg:$0xf];
	[sflag:s0] =	ssyncadd.s32 $0xFFFFF000  }
0x4f: {  	[spmem:s14] =	stream.linear.scatter [tilespmem:s1], [sflag:$0x3], $0x1000, $0x38;
	[tilespmem:$0x1D000] =	vst v63  }
0x50: {  	_ =	swait.ge [sflag:s0], $0x1000  }
0x51: {  	[sflag:s0] =	ssyncset.done $0x0  }
0x52: {  	s15 =	rddreg [dreg:$0x10];
	[sflag:s0] =	ssyncadd.s32 $0xFFFFF000  }
0x53: {  	[spmem:s15] =	stream.linear.scatter [tilespmem:s1], [sflag:$0x3], $0x1000, $0x38;
	[tilespmem:$0x1D000] =	vst v63  }
0x54: {  	_ =	swait.ge [sflag:s0], $0x1000  }
0x55: {  	[sflag:s0] =	ssyncset.done $0x0  }
0x56: {  	s16 =	rddreg [dreg:$0x11];
	[sflag:s0] =	ssyncadd.s32 $0xFFFFF000  }
0x57: {  	[spmem:s16] =	stream.linear.scatter [tilespmem:s1], [sflag:$0x3], $0x1000, $0x38;
	[tilespmem:$0x1D000] =	vst v63  }
0x58: {  	_ =	swait.ge [sflag:s0], $0x1000  }
0x59: {  	[sflag:s0] =	ssyncset.done $0x0  }
0x5a: {  	s17 =	rddreg [dreg:$0x12];
	[sflag:s0] =	ssyncadd.s32 $0xFFFFF000  }
0x5b: {  	[spmem:s17] =	stream.linear.scatter [tilespmem:s1], [sflag:$0x3], $0x1000, $0x38;
	[tilespmem:$0x1D000] =	vst v63  }
0x5c: {  	_ =	swait.ge [sflag:s0], $0x1000  }
0x5d: {  	[sflag:s0] =	ssyncset.done $0x0  }
0x5e: {  	s18 =	rddreg [dreg:$0x13];
	[sflag:s0] =	ssyncadd.s32 $0xFFFFF000  }
0x5f: {  	[spmem:s18] =	stream.linear.scatter [tilespmem:s1], [sflag:$0x3], $0x1000, $0x38;
	[tilespmem:$0x1D000] =	vst v63  }
0x60: {  	_ =	swait.ge [sflag:s0], $0x1000  }
0x61: {  	[sflag:s0] =	ssyncset.done $0x0  }
0x62: {  	[sflag:s0] =	ssyncadd.s32 $0xFFFFF000  }
0x63: {  	[spmem:s21] =	stream.linear.scatter [tilespmem:s1], [sflag:$0x3], $0x1000, $0x38;
	[tilespmem:$0x1D000] =	vst v63  }
0x64: {  	_ =	swait.ge [sflag:s0], $0x1000  }
0x65: {  	[sflag:s0] =	ssyncset.done $0x0  }
0x66: {  	[sflag:s0] =	ssyncadd.s32 $0xFFFFF000  }
0x67: {  	[spmem:s22] =	stream.linear.scatter [tilespmem:s1], [sflag:$0x3], $0x1000, $0x38;
	[tilespmem:$0x1D000] =	vst v63  }
0x68: {  	_ =	swait.ge [sflag:s0], $0x1000  }
0x69: {  	[sflag:s0] =	ssyncset.done $0x0  }
0x6a: {  	[sflag:s0] =	ssyncadd.s32 $0xFFFFF000  }
0x6b: {  	[spmem:s25] =	stream.linear.scatter [tilespmem:s1], [sflag:$0x3], $0x1000, $0x38;
	[tilespmem:$0x1D000] =	vst v63  }
0x6c: {  	_ =	swait.ge [sflag:s0], $0x1000  }
0x6d: {  	[sflag:s0] =	ssyncset.done $0x0  }
0x6e: {  	[sflag:s0] =	ssyncadd.s32 $0xFFFFF000  }
0x6f: {  	[spmem:s26] =	stream.linear.scatter [tilespmem:s1], [sflag:$0x3], $0x1000, $0x38;
	[tilespmem:$0x1D000] =	vst v63  }
0x70: {  	_ =	swait.ge [sflag:s0], $0x1000  }
0x71: {  	[sflag:s0] =	ssyncset.done $0x0  }
0x72: {  	[sflag:s0] =	ssyncadd.s32 $0xFFFFF000  }
0x73: {  	[spmem:s28] =	stream.linear.scatter [tilespmem:s1], [sflag:$0x3], $0x1000, $0x38;
	[tilespmem:$0x1D000] =	vst v63  }
0x74: {  	_ =	swait.ge [sflag:s0], $0x1000  }
0x75: {  	[sflag:s0] =	ssyncset.done $0x0  }
0x76: {  	[sflag:s0] =	ssyncadd.s32 $0xFFFFF000  }
0x77: {  	[spmem:s29] =	stream.linear.scatter [tilespmem:s1], [sflag:$0x3], $0x1000, $0x38;
	[tilespmem:$0x1D000] =	vst v63  }
0x78: {  	_ =	swait.ge [sflag:s0], $0x1000  }
0x79: {  	[sflag:s0] =	ssyncset.done $0x0  }
0x7a: {  	s19 =	simm.s32 $0x0;
	[sflag:s0] =	ssyncadd.s32 $0xFFFFF000  }
0x7b: {  	[spmem:s30] =	stream.linear.scatter [tilespmem:s1], [sflag:$0x3], $0x1000, $0x38;
	[tilespmem:$0x1D000] =	vst v63  }
0x7c: {  	p0 =	por $0x0, $0x0;
	s8 =	sand.u32 $0x7, s19;
	_ =	swait.ge [sflag:s0], $0x1000  }
0x7d: {  	p2 =	por $0x0, $0x0;
	p1 =	sne.s32 @!p0 s8, $0x0;
	[sflag:s0] =	ssyncset.done $0x0  }
0x7e: {  	s8 =	simm.s32 $0x400;
	p0 =	por p1, p0;
	[sflag:s0] =	ssyncadd.s32 $0xFFFFF000  }
0x7f: {  	s8 =	sand.u32 @!p0 $0x400, s8;
	s9 =	simm.s32 $0x200;
	[bflag:$0x0] =	sbarrier.arrive $0xFFFF  }
0x80: {  	[tilespmem:s1], [sflag:$0x1] =	stream.indirect.gather [hbm4b:s3+s4], $0x80, s31, s4, $0xb8;
	[tilespmem:$0x1D000] =	vst v63  }
0x81: {  	s10 =	sor.u32 @!p0 $0x14000, s8;
	s11 =	simm.s32 $0x1;
	s12 =	simm.s32 @!p0 $0x0  }
0x82: {  	[tilespmem:s10], [sflag:$0x2] =	stream.linear.gather @!p0 [hbm4b:s24+s12], $0x400, $0x38;
	[tilespmem:$0x1D000] =	vst v63  }
0x83: {  	s9 =	sand.u32 $0x1000, s9;
	s8 =	sor.u32 @!p0 $0x14800, s8;
	s20 =	sand.u32 $0x7, s11  }
0x84: {  	[tilespmem:s8], [sflag:$0x2] =	stream.linear.gather @!p0 [hbm4b:s23+s12], $0x400, $0x38;
	[tilespmem:$0x1D000] =	vst v63  }
0x85: {  	s9 =	sshrl.u32 s9, $0x2;
	s11 =	sshll.u32 s20, $0x7;
	_ =	swait.ge [sflag:s5], $0x4000  }
0x86: {  	s13 =	sadd.s32 $0x10, s23;
	p0 =	sne.s32 s20, $0x0;
	[sflag:s5] =	ssyncset.done $0x0  }
0x87: {  	s14 =	simm.s32 $0x480;
	s15 =	simm.s32 @!p0 $0x2;
	[sflag:s5] =	ssyncadd.s32 $0xFFFFC000  }
0x88: {  	s16 =	sor.u32 s11, s9;
	s11 =	sadd.s32 $0x10, s24;
	_ =	swait.ge @!p0 [sflag:s15], $0x400  }
0x89: {  	s9 =	simm.s32 $0x400;
	s17 =	simm.s32 $0x0;
	[sflag:s15] =	ssyncset.done @!p0 $0x0  }
0x8a: {  	s17 =	sxor.u32 $0xFFFFFFFF, s17;
	s18 =	simm.s32 $0x1;
	[sflag:s15] =	ssyncadd.s32 @!p0 $0xFFFFFC00  }
0x8b: {  	s18 =	sand.u32 $0x7, s18;
	s10 =	simm.s32 $0x500;
	_ =	swait.ge @!p0 [sflag:s15], $0x400  }
0x8c: {  	s8 =	simm.s32 $0x4000;
	s12 =	simm.s32 $0x2;
	[sflag:s15] =	ssyncset.done @!p0 $0x0  }
.LBB2_4:
0x8d: {  	p3 =	sne.s32 @!p2 s18, $0x0;
	s17 =	sand.u32 $0x4000, s17  }
0x8e: {  	s18 =	smov.u32 s10;
	s10 =	sadd.s32 $0x80, s10;
	s19 =	smov.u32 s8  }
0x8f: {  	p1 =	sne.s32 s10, $0x2B80;
	p2 =	por p3, p2;
	s17 =	sadd.s32 $0x15000, s17  }
0x90: {  	s14 =	sand.u32 @!p2 $0x400, s14;
	[sflag:s15] =	ssyncadd.s32 @!p0 $0xFFFFFC00;
	s15 =	sor.u32 $0x14000, s16  }
0x91: {  	[tilespmem:s17], [sflag:$0x1] =	stream.indirect.gather [hbm4b:s3+s4], $0x80, s15, s4, $0xb8;
	[tilespmem:$0x1D000] =	vst v63  }
0x92: {  	s16 =	simm.s32 @!p2 $0x0;
	s15 =	sor.u32 @!p2 $0x14000, s14;
	s17 =	sor.u32 @!p2 $0x14800, s14  }
0x93: {  	[tilespmem:s15], [sflag:$0x2] =	stream.linear.gather @!p2 [hbm4b:s11+s16], $0x400, $0x38;
	[tilespmem:$0x1D000] =	vst v63  }
0x94: {  	s8 =	sadd.s32 $0x4000, s8;
	s14 =	smov.u32 s18  }
0x95: {  	[tilespmem:s17], [sflag:$0x2] =	stream.linear.gather @!p2 [hbm4b:s13+s16], $0x400, $0x38;
	[tilespmem:$0x1D000] =	vst v63  }
0x96: {  	s15 =	sand.u32 $0x7, s12;
	s16 =	sand.u32 $0x1000, s9;
	_ =	swait.ge [sflag:s5], $0x4000  }
0x97: {  	p0 =	sne.s32 s15, $0x0;
	s17 =	sshll.u32 s15, $0x7;
	[sflag:s5] =	ssyncset.done $0x0  }
0x98: {  	s15 =	simm.s32 @!p0 $0x2;
	s16 =	sshrl.u32 s16, $0x2;
	[sflag:s5] =	ssyncadd.s32 $0xFFFFC000  }
.Ltmp1:
0x99: {  	s16 =	sor.u32 s17, s16;
	_ =	swait.ge @!p0 [sflag:s15], $0x400;
	(pc) =	sbr.rel @p1 .LBB2_4-.Ltmp1, $4  }
0x9a: {  	s11 =	sadd.s32 $0x10, s11;
	s9 =	sadd.s32 $0x200, s9;
	[sflag:s15] =	ssyncset.done @!p0 $0x0  }
0x9b: {  	s12 =	sadd.s32 $0x1, s12;
	s13 =	sadd.s32 $0x10, s13;
	[sflag:s15] =	ssyncadd.s32 @!p0 $0xFFFFFC00  }
0x9c: {  	s20 =	sadd.s32 $0xFFFFFFFF, s12;
	s17 =	sxor.u32 $0xFFFFFFFF, s19;
	_ =	swait.ge @!p0 [sflag:s15], $0x400  }
0x9d: {  	s18 =	sand.u32 $0x7, s20;
	p2 =	sgt.u32 s20, $0x47;
	[sflag:s15] =	ssyncset.done @!p0 $0x0  }
0x9e: {  	p1 =	sne.s32 @!p2 s18, $0x0  }
0x9f: {  	s10 =	sand.u32 $0x4000, s17;
	[sflag:s15] =	ssyncadd.s32 @!p0 $0xFFFFFC00;
	p1 =	por p1, p2  }
0xa0: {  	s20 =	sor.u32 $0x14000, s16;
	s10 =	sadd.s32 $0x15000, s10;
	s14 =	sand.u32 @!p1 $0x400, s14  }
0xa1: {  	[tilespmem:s10], [sflag:$0x1] =	stream.indirect.gather [hbm4b:s3+s4], $0x80, s20, s4, $0xb8;
	[tilespmem:$0x1D000] =	vst v63  }
0xa2: {  	s15 =	simm.s32 @!p1 $0x0;
	s10 =	sor.u32 @!p1 $0x14000, s14  }
0xa3: {  	[tilespmem:s10], [sflag:$0x2] =	stream.linear.gather @!p1 [hbm4b:s11+s15], $0x400, $0x38;
	[tilespmem:$0x1D000] =	vst v63  }
0xa4: {  	s10 =	sor.u32 @!p1 $0x14800, s14  }
0xa5: {  	[tilespmem:s10], [sflag:$0x2] =	stream.linear.gather @!p1 [hbm4b:s13+s15], $0x400, $0x38;
	[tilespmem:$0x1D000] =	vst v63  }
0xa6: {  	s16 =	sand.u32 $0x7, s12;
	_ =	swait.ge [sflag:s5], $0x4000  }
0xa7: {  	p0 =	sne.s32 s16, $0x0;
	[sflag:s5] =	ssyncset.done $0x0  }
0xa8: {  	s11 =	simm.s32 @!p0 $0x2;
	[sflag:s5] =	ssyncadd.s32 $0xFFFFC000  }
0xa9: {  	_ =	swait.ge @!p0 [sflag:s11], $0x400  }
0xaa: {  	[sflag:s11] =	ssyncset.done @!p0 $0x0  }
0xab: {  	s9 =	sand.u32 $0x1000, s9;
	s8 =	sxor.u32 $0xFFFFFFFF, s8;
	[sflag:s11] =	ssyncadd.s32 @!p0 $0xFFFFFC00  }
0xac: {  	s9 =	sshrl.u32 s9, $0x2;
	s10 =	sshll.u32 s16, $0x7;
	_ =	swait.ge @!p0 [sflag:s11], $0x400  }
0xad: {  	s8 =	sand.u32 $0x4000, s8;
	s9 =	sor.u32 s10, s9;
	[sflag:s11] =	ssyncset.done @!p0 $0x0  }
0xae: {  	s8 =	sadd.s32 $0x15000, s8;
	s9 =	sor.u32 $0x14000, s9;
	[sflag:s11] =	ssyncadd.s32 @!p0 $0xFFFFFC00  }
0xaf: {  	[tilespmem:s8], [sflag:$0x1] =	stream.indirect.gather [hbm4b:s3+s4], $0x80, s9, s4, $0xb8;
	[tilespmem:$0x1D000] =	vst v63  }
0xb0: {  	_ =	swait.ge [sflag:s5], $0x4000  }
0xb1: {  	[sflag:s5] =	ssyncset.done $0x0  }
0xb2: {  	s17 =	stileid.u32;
	[sflag:s5] =	ssyncadd.s32 $0xFFFFC000  }
0xb3: {  	s8 =	sshll.u32 s17, $0x6;
	[bflag:$0x0] =	sbarrier.arrive $0xFFFF  }
0xb4: {  	s18 =	sshrl.u32 s6, $0x3;
	s8 =	sor.u32 $0x1C03, s8;
	s19 =	rddreg [dreg:$0x6]  }
0xb5: {  	[hbm:s19], [sflag:s8] =	dma.local [spmem:s18], $0x2800  }
0xb6: {  	_ =	swait.ge [sflag:s0], $0x2800  }
0xb7: {  	s7 =	sadd.s32 $0x1, s7;
	s20 =	rddreg [dreg:$0x7]  }
0xb8: {  	p0 =	sne.s32 s7, s20  }
.Ltmp2:
0xb9: {  	_ = 	snop;
	(pc) =	sbr.rel @p0 .LBB2_1-.Ltmp2, $3  }
0xba: {  	_ =	sdelay $0x1  }
0xbb: {  	[sflag:s0] =	ssyncset.done $0x0  }
0xbc: {  	[sflag:s0] =	ssyncadd.s32 $0xFFFFD800  }
0xbd: {  	_ =	sfence.sel $0x180000  }
0xbe: {  	[bflag:$0x0] =	sbarrier.arrive $0xFFFF  }
0xbf: {  	_ =	strace $0x9000004A  }
0xc0: {  	s0 =	stileid.u32;
	[bflag:$0x2] =	sbarrier.arrive $0xFFFF  }
0xc1: {  	p0 =	sne.s32 s0, $0x0;
	s0 =	rddreg [dreg:$0x3]  }
0xc2: {  	s0 =	sadd.s32 @!p0 $0x100000, s0  }
0xc3: {  	[sflag:s0] =	ssyncadd.tile.s32 @!p0 $0x1;
	_ =	shalt  }
.Lfunc_end2:
_tile_overlayer_lowered:
.L_overlay_start_2:
0xc4: {  	(tag) =	ssettag $0x2  }
0xc5: {  	s0 =	rddreg [dreg:$0x0];
	s2 =	stileid.u32  }
0xc6: {  	s1 =	rddreg [dreg:$0x1];
	p0 =	sne.s32 s2, $0x0  }
0xc7: {  	s3 =	rddreg [dreg:$0x2];
	[bflag:$0x3] =	sbarrier.arrive $0xFFFF;
	s2 =	simm.s32 @!p0 $0x1C03  }
0xc8: {  	[timem:s3], [sflag:s2] =	dma.local @!p0 [hbm:s0], s1  }
0xc9: {  	s0 =	simm.s32 @!p0 $0x3  }
0xca: {  	_ =	swait.ge @!p0 [sflag:s0], s1  }
0xcb: {  	s1 =	ssub.s32 @!p0 $0x0, s1;
	[sflag:s0] =	ssyncset.done @!p0 $0x0  }
0xcc: {  	[sflag:s0] =	ssyncadd.s32 @!p0 s1  }
0xcd: {  	[bflag:$0x3] =	sbarrier.arrive $0xFFFF  }
0xce: {  	_ =	shalt  }

</sc_bundles>
